<compile_context>
chip_gen: v7x
topology: tpu7x:2x2x1
jax: 0.10.2.dev20260603
libtpu: 0.0.44.dev20260713+nightly
codegen_flags: <defaults>
</compile_context>

<pallas_src>
import functools

import jax
import jax.numpy as jnp
from jax.experimental import pallas as pl
from jax.experimental.pallas import tpu as pltpu


def _bf(x):
    return x.astype(jnp.bfloat16)


def _dot(a, b):
    return jax.lax.dot_general(_bf(a), _bf(b), (((a.ndim - 1,), (0,)), ((), ())),
                               preferred_element_type=jnp.float32)


def _ln(x, g, b):
    m = jnp.mean(x, axis=-1, keepdims=True)
    v = jnp.var(x, axis=-1, keepdims=True)
    return (x - m) / jnp.sqrt(v + 1e-5) * g + b



def _front_kernel(x_ref, w_ref, b_ref, g_ref, be_ref, o_ref):
    x = jnp.clip(x_ref[...], -5.0, 5.0)
    h = jax.nn.gelu(_dot(x, w_ref[...]) + b_ref[...])
    o_ref[...] = _ln(h, g_ref[...], be_ref[...])


def _front_call(x_last, lp):
    n, din = x_last.shape
    d = lp['W'].shape[1]
    return pl.pallas_call(
        _front_kernel,
        out_shape=jax.ShapeDtypeStruct((n, d), jnp.float32),
    )(x_last, lp['W'], lp['b'].reshape(1, d), lp['g'].reshape(1, d),
      lp['be'].reshape(1, d))



def _router_kernel(x_ref, w_ref, b_ref, o_ref):
    k = pl.program_id(0)
    nk = pl.num_programs(0)
    part = _dot(jnp.clip(x_ref[...], -5.0, 5.0), w_ref[...])

    @pl.when(k == 0)
    def _():
        o_ref[...] = part + b_ref[...]

    @pl.when(k > 0)
    def _():
        o_ref[...] += part

    @pl.when(k == nk - 1)
    def _():
        o_ref[...] = jax.nn.softmax(o_ref[...], axis=-1)


def _router_call(x_flat, w, b):
    n, kdim = x_flat.shape
    chunk = 2048 if kdim % 2048 == 0 else kdim
    nk = kdim // chunk
    return pl.pallas_call(
        _router_kernel,
        grid=(nk,),
        in_specs=[
            pl.BlockSpec((n, chunk), lambda k: (0, k)),
            pl.BlockSpec((chunk, 2), lambda k: (k, 0)),
            pl.BlockSpec((1, 2), lambda k: (0, 0)),
        ],
        out_specs=pl.BlockSpec((n, 2), lambda k: (0, 0)),
        out_shape=jax.ShapeDtypeStruct((n, 2), jnp.float32),
    )(x_flat, w, b.reshape(1, 2))



def _top2_gates(probs):
    n, e = probs.shape
    lane = jax.lax.broadcasted_iota(jnp.int32, (n, e), 1)
    v1 = jnp.max(probs, axis=-1, keepdims=True)
    i1 = jnp.min(jnp.where(probs == v1, lane, e), axis=-1, keepdims=True)
    sel1 = lane == i1
    p2 = jnp.where(sel1, -jnp.inf, probs)
    v2 = jnp.max(p2, axis=-1, keepdims=True)
    i2 = jnp.min(jnp.where(p2 == v2, lane, e), axis=-1, keepdims=True)
    mask = jnp.logical_or(sel1, lane == i2).astype(jnp.float32)
    return mask


def _moe_kernel(x_ref, wg_ref, w1_ref, b1_ref, w2_ref, b2_ref,
                o_ref, aux_ref, g_ref):
    e = pl.program_id(0)
    ne = pl.num_programs(0)
    x = x_ref[...]

    @pl.when(e == 0)
    def _():
        logits = _dot(x, wg_ref[...])
        probs = jax.nn.softmax(logits, axis=-1)
        mask = _top2_gates(probs)
        g_ref[...] = probs * mask
        mp = jnp.mean(probs, axis=0, keepdims=True)
        mm = jnp.mean(mask, axis=0, keepdims=True)
        aux_ref[...] = (jnp.sum(mp * mm) * ne).reshape(1, 1)

    gates = g_ref[...]
    lane = jax.lax.broadcasted_iota(jnp.int32, gates.shape, 1)
    gate_e = jnp.sum(gates * (lane == e).astype(jnp.float32),
                     axis=-1, keepdims=True)

    def ffn(xs):
        h = jax.nn.gelu(_dot(xs, w1_ref[0]) + b1_ref[0])
        return _dot(h, w2_ref[0]) + b2_ref[0]

    half = x.shape[0] // 2
    y = jnp.concatenate([ffn(x[:half]), ffn(x[half:])], axis=0)
    contrib = gate_e * y

    @pl.when(e == 0)
    def _():
        o_ref[...] = contrib

    @pl.when(e > 0)
    def _():
        o_ref[...] += contrib


def _moe_call(x, p):
    n, d = x.shape
    e, _, h = p['W1'].shape
    out, aux = pl.pallas_call(
        _moe_kernel,
        grid=(e,),
        in_specs=[
            pl.BlockSpec((n, d), lambda i: (0, 0)),
            pl.BlockSpec((d, e), lambda i: (0, 0)),
            pl.BlockSpec((1, d, h), lambda i: (i, 0, 0)),
            pl.BlockSpec((1, 1, h), lambda i: (i, 0, 0)),
            pl.BlockSpec((1, h, d), lambda i: (i, 0, 0)),
            pl.BlockSpec((1, 1, d), lambda i: (i, 0, 0)),
        ],
        out_specs=[
            pl.BlockSpec((n, d), lambda i: (0, 0)),
            pl.BlockSpec((1, 1), lambda i: (0, 0)),
        ],
        out_shape=[
            jax.ShapeDtypeStruct((n, d), jnp.float32),
            jax.ShapeDtypeStruct((1, 1), jnp.float32),
        ],
        scratch_shapes=[pltpu.VMEM((n, e), jnp.float32)],
    )(x, p['Wg'], p['W1'], p['b1'].reshape(e, 1, h), p['W2'],
      p['b2'].reshape(e, 1, d))
    return out, aux



def _mix_kernel(fa_ref, fb_ref, lf_ref, r_ref,
                ga_ref, bea_ref, wa_ref, ba_ref,
                gb_ref, beb_ref, wb_ref, bb_ref,
                cwa_ref, cba_ref, cwb_ref, cbb_ref,
                agg_ref, logit_ref):
    fa = fa_ref[...]
    fb = fb_ref[...]
    r0 = r_ref[:, 0:1]
    r1 = r_ref[:, 1:2]
    pa = fa + jax.nn.gelu(_dot(_ln(fa, ga_ref[...], bea_ref[...]), wa_ref[...])
                          + ba_ref[...])
    pb = fb + jax.nn.gelu(_dot(_ln(fb, gb_ref[...], beb_ref[...]), wb_ref[...])
                          + bb_ref[...])
    agg_ref[...] = lf_ref[...] + r0 * pa + r1 * pb
    la = _dot(fa, cwa_ref[...]) + cba_ref[...]
    lb = _dot(fb, cwb_ref[...]) + cbb_ref[...]
    logit_ref[...] = r0 * la + r1 * lb


def _mix_call(fa, fb, local_feat, r, pa, pb, cwa, cba, cwb, cbb):
    n, d = fa.shape
    c = cwa.shape[1]
    return pl.pallas_call(
        _mix_kernel,
        out_shape=[
            jax.ShapeDtypeStruct((n, d), jnp.float32),
            jax.ShapeDtypeStruct((n, c), jnp.float32),
        ],
    )(fa, fb, local_feat, r,
      pa['g'].reshape(1, d), pa['be'].reshape(1, d), pa['W'],
      pa['b'].reshape(1, d),
      pb['g'].reshape(1, d), pb['be'].reshape(1, d), pb['W'],
      pb['b'].reshape(1, d),
      cwa, cba.reshape(1, c), cwb, cbb.reshape(1, c))



def kernel(x_root, x_childA, x_childB, params):
    b = x_root.shape[0]

    h_root = _front_call(x_root[:, -1, :], params['root_lp'])
    ha = _front_call(x_childA[:, -1, :], params['childA']['lp'])
    hb = _front_call(x_childB[:, -1, :], params['childB']['lp'])

    r = _router_call(x_root.reshape(b, -1), params['router']['W'],
                     params['router']['b'])

    local_feat, aux0 = _moe_call(h_root, params['root_moe'])
    fa, auxa = _moe_call(ha, params['childA']['moe'])
    fb, auxb = _moe_call(hb, params['childB']['moe'])

    agg, final_logits = _mix_call(
        fa, fb, local_feat, r,
        params['childA']['proj'], params['childB']['proj'],
        params['childA']['cls_W'], params['childA']['cls_b'],
        params['childB']['cls_W'], params['childB']['cls_b'])

    final_feat, auxr = _moe_call(agg, params['router_moe'])

    aux = (aux0 + auxa + auxb + auxr).reshape(())
    return final_logits, final_feat, aux

# --- scband reference (transcript-rebuilt; emitter-appended) ---
"""Pipeline reference for scband-hmo-enode-37203006717998 (READ-ONLY COPY).

The authoritative reference and input builder live on the scoring server;
editing this copy changes nothing except your own understanding.
"""

import jax, jax.numpy as jnp
import numpy as np

B, S, DIN, D, E, H, C, K = 1024, 64, 512, 768, 8, 1536, 3, 2

def _ln(x, g, b):
    m = jnp.mean(x, axis=-1, keepdims=True)
    v = jnp.var(x, axis=-1, keepdims=True)
    return (x - m) / jnp.sqrt(v + 1e-5) * g + b

def _local_proj(x, p):
    h = jax.nn.gelu(x @ p['W'] + p['b'])
    return _ln(h, p['g'], p['be'])

def _moe(x, p):
    logits = x @ p['Wg']
    probs = jax.nn.softmax(logits, axis=-1)
    topv, topi = jax.lax.top_k(probs, K)
    mask = jnp.sum(jax.nn.one_hot(topi, E, dtype=x.dtype), axis=1)
    gates = probs * mask
    h = jax.nn.gelu(jnp.einsum('nd,edh->neh', x, p['W1']) + p['b1'])
    y = jnp.einsum('neh,ehd->ned', h, p['W2']) + p['b2']
    out = jnp.einsum('ne,ned->nd', gates, y)
    aux = jnp.sum(jnp.mean(probs, axis=0) * jnp.mean(mask, axis=0)) * E
    return out, aux

def _residual_translator(x, p):
    h = jax.nn.gelu(_ln(x, p['g'], p['be']) @ p['W'] + p['b'])
    return x + h

def _leaf(x_raw, p):
    x = jnp.clip(x_raw, -5.0, 5.0)
    x_flat = x[:, -1, :]
    h = _local_proj(x_flat, p['lp'])
    feat, aux = _moe(h, p['moe'])
    logit = feat @ p['cls_W'] + p['cls_b']
    return logit, feat, aux

def _forward(x_root, x_childA, x_childB, params):
    xr = jnp.clip(x_root, -5.0, 5.0)
    x_flat = xr[:, -1, :]
    h = _local_proj(x_flat, params['root_lp'])
    local_feat, aux0 = _moe(h, params['root_moe'])
    la, fa, auxa = _leaf(x_childA, params['childA'])
    lb, fb, auxb = _leaf(x_childB, params['childB'])
    pa = _residual_translator(fa, params['childA']['proj'])
    pb = _residual_translator(fb, params['childB']['proj'])
    r = jax.nn.softmax(xr.reshape(xr.shape[0], -1) @ params['router']['W'] + params['router']['b'], axis=-1)
    agg = local_feat + r[:, 0:1] * pa + r[:, 1:2] * pb
    final_feat, auxr = _moe(agg, params['router_moe'])
    final_logits = r[:, 0:1] * la + r[:, 1:2] * lb
    aux = aux0 + auxa + auxb + auxr
    return final_logits, final_feat, aux

def setup_inputs(seed: int = 0) -> dict:
    key = jax.random.key(seed)
    ks = jax.random.split(key, 16)
    def nrm(k, shp, s=0.02):
        return jax.random.normal(k, shp, dtype=jnp.float32) * s
    def moe_params(k):
        k1, k2, k3 = jax.random.split(k, 3)
        return {'Wg': nrm(k1, (D, E)), 'W1': nrm(k2, (E, D, H)), 'b1': jnp.zeros((E, H), jnp.float32), 'W2': nrm(k3, (E, H, D)), 'b2': jnp.zeros((E, D), jnp.float32)}
    def lp_params(k):
        return {'W': nrm(k, (DIN, D)), 'b': jnp.zeros((D,), jnp.float32), 'g': jnp.ones((D,), jnp.float32), 'be': jnp.zeros((D,), jnp.float32)}
    def proj_params(k):
        return {'g': jnp.ones((D,), jnp.float32), 'be': jnp.zeros((D,), jnp.float32), 'W': nrm(k, (D, D)), 'b': jnp.zeros((D,), jnp.float32)}
    def child_params(k):
        k1, k2, k3, k4 = jax.random.split(k, 4)
        return {'lp': lp_params(k1), 'moe': moe_params(k2), 'cls_W': nrm(k3, (D, C)), 'cls_b': jnp.zeros((C,), jnp.float32), 'proj': proj_params(k4)}
    params = {
        'root_lp': lp_params(ks[0]),
        'root_moe': moe_params(ks[1]),
        'router_moe': moe_params(ks[2]),
        'router': {'W': nrm(ks[3], (S * DIN, 2)), 'b': jnp.zeros((2,), jnp.float32)},
        'childA': child_params(ks[4]),
        'childB': child_params(ks[5]),
    }
    x_root = jax.random.normal(ks[6], (B, S, DIN), dtype=jnp.float32)
    x_childA = jax.random.normal(ks[7], (B, S, DIN), dtype=jnp.float32)
    x_childB = jax.random.normal(ks[8], (B, S, DIN), dtype=jnp.float32)
    return {'x_root': x_root, 'x_childA': x_childA, 'x_childB': x_childB, 'params': params}

def reference(x_root, x_childA, x_childB, params):
    return _forward(x_root, x_childA, x_childB, params)

if __name__ == "__main__":
    import jax
    _d = setup_inputs()
    print(jax.jit(kernel)(*tuple(_d.values())))

</pallas_src>

<mosaic_0001>
module attributes {stable_mosaic.version = 14 : i64} {
  func.func @_router_kernel(%arg0: i32, %arg1: memref<1024x2048xf32, #tpu.memory_space<vmem>>, %arg2: memref<2048x2xf32, #tpu.memory_space<vmem>>, %arg3: memref<1x2xf32, #tpu.memory_space<vmem>>, %arg4: memref<1024x2xf32, #tpu.memory_space<vmem>>) attributes {dimension_semantics = [#tpu.dimension_semantics<arbitrary>], iteration_bounds = array<i64: 16>, scalar_prefetch = 0 : i64, scratch_operands = 0 : i64, tpu.core_type = #tpu.core_type<tc>, window_params = [{transform_indices = @transform_0, window_bounds = array<i64: 1024, 2048>}, {transform_indices = @transform_1, window_bounds = array<i64: 2048, 2>}, {pipeline_mode = #tpu.pipeline_mode<synchronous>, transform_indices = @transform_2, window_bounds = array<i64: 1, 2>}, {pipeline_mode = #tpu.pipeline_mode<synchronous>, transform_indices = @transform_3, window_bounds = array<i64: 1024, 2>}]} {
    %get3A = arith.constant 0 : index
    %get3A_0 = arith.constant 0 : index
    %get3A_1 = vector.load %arg1[%get3A, %get3A_0] : memref<1024x2048xf32, #tpu.memory_space<vmem>>, vector<1024x2048xf32>
    %jit3A = arith.constant -5.000000e+00 : f32
    %jit3A_2 = arith.constant 5.000000e+00 : f32
    %max3A = vector.broadcast %jit3A : f32 to vector<1024x2048xf32>
    %max3A_3 = arith.maximumf %max3A, %get3A_1 : vector<1024x2048xf32>
    %min3A = vector.broadcast %jit3A_2 : f32 to vector<1024x2048xf32>
    %min3A_4 = arith.minimumf %min3A, %max3A_3 : vector<1024x2048xf32>
    %get3A_5 = arith.constant 0 : index
    %get3A_6 = arith.constant 0 : index
    %get3A_7 = vector.load %arg2[%get3A_5, %get3A_6] : memref<2048x2xf32, #tpu.memory_space<vmem>>, vector<2048x2xf32>
    %convert_element_type3A = arith.truncf %min3A_4 : vector<1024x2048xf32> to vector<1024x2048xbf16>
    %convert_element_type3A_8 = arith.truncf %get3A_7 : vector<2048x2xf32> to vector<2048x2xbf16>
    %dot_general3A = arith.constant dense<0.000000e+00> : vector<1024x2xf32>
    %dot_general3A_9 = tpu.matmul %convert_element_type3A, %convert_element_type3A_8, %dot_general3A {dimension_numbers = #tpu.dot_dimension_numbers<[1], [0], [0], [1], [0, 0, 1, 1], [], []>, transpose_lhs_hint = false} : vector<1024x2048xbf16>, vector<2048x2xbf16>, vector<1024x2xf32> -> vector<1024x2xf32>
    %eq3A = arith.constant 0 : i32
    %eq3A_10 = arith.cmpi eq, %arg0, %eq3A : i32
    %convert_element_type3A_11 = arith.extui %eq3A_10 : i1 to i32
    %cond3A = arith.constant 0 : i32
    %cond3A_12 = arith.cmpi ne, %convert_element_type3A_11, %cond3A : i32
    scf.if %cond3A_12 {
      %get3A_22 = arith.constant 0 : index
      %get3A_23 = arith.constant 0 : index
      %get3A_24 = vector.load %arg3[%get3A_22, %get3A_23] : memref<1x2xf32, #tpu.memory_space<vmem>>, vector<1x2xf32>
      %add3A = vector.broadcast %get3A_24 : vector<1x2xf32> to vector<1024x2xf32>
      %add3A_25 = arith.addf %dot_general3A_9, %add3A : vector<1024x2xf32>
      %swap3A = arith.constant 0 : index
      %swap3A_26 = arith.constant 0 : index
      %swap3A_27 = vector.load %arg4[%swap3A, %swap3A_26] : memref<1024x2xf32, #tpu.memory_space<vmem>>, vector<1024x2xf32>
      tpu.vector_store %arg4[%swap3A, %swap3A_26], %add3A_25 {strides = array<i32>} : memref<1024x2xf32, #tpu.memory_space<vmem>>, vector<1024x2xf32>,
    } else {
    }
    %gt3A = arith.constant 0 : i32
    %gt3A_13 = arith.cmpi sgt, %arg0, %gt3A : i32
    %convert_element_type3A_14 = arith.extui %gt3A_13 : i1 to i32
    %cond3A_15 = arith.constant 0 : i32
    %cond3A_16 = arith.cmpi ne, %convert_element_type3A_14, %cond3A_15 : i32
    scf.if %cond3A_16 {
      %get3A_22 = arith.constant 0 : index
      %get3A_23 = arith.constant 0 : index
      %get3A_24 = vector.load %arg4[%get3A_22, %get3A_23] : memref<1024x2xf32, #tpu.memory_space<vmem>>, vector<1024x2xf32>
      %add3A = arith.addf %get3A_24, %dot_general3A_9 : vector<1024x2xf32>
      %swap3A = arith.constant 0 : index
      %swap3A_25 = arith.constant 0 : index
      %swap3A_26 = vector.load %arg4[%swap3A, %swap3A_25] : memref<1024x2xf32, #tpu.memory_space<vmem>>, vector<1024x2xf32>
      tpu.vector_store %arg4[%swap3A, %swap3A_25], %add3A {strides = array<i32>} : memref<1024x2xf32, #tpu.memory_space<vmem>>, vector<1024x2xf32>,
    } else {
    }
    %eq3A_17 = arith.constant 15 : i32
    %eq3A_18 = arith.cmpi eq, %arg0, %eq3A_17 : i32
    %convert_element_type3A_19 = arith.extui %eq3A_18 : i1 to i32
    %cond3A_20 = arith.constant 0 : i32
    %cond3A_21 = arith.cmpi ne, %convert_element_type3A_19, %cond3A_20 : i32
    scf.if %cond3A_21 {
      %get3A_22 = arith.constant 0 : index
      %get3A_23 = arith.constant 0 : index
      %get3A_24 = vector.load %arg4[%get3A_22, %get3A_23] : memref<1024x2xf32, #tpu.memory_space<vmem>>, vector<1024x2xf32>
      %reduce_max3A = arith.constant dense<0xFF800000> : vector<1024xf32>
      %reduce_max3A_25 = vector.multi_reduction <maximumf>, %get3A_24, %reduce_max3A [1] : vector<1024x2xf32> to vector<1024xf32>
      %max3A_26 = arith.constant 0xFF800000 : f32
      %max3A_27 = vector.broadcast %max3A_26 : f32 to vector<1024xf32>
      %max3A_28 = arith.maximumf %max3A_27, %reduce_max3A_25 : vector<1024xf32>
      %broadcast_in_dim3A = vector.shape_cast %max3A_28 : vector<1024xf32> to vector<1024x1xf32>
      %sub3A = vector.broadcast %broadcast_in_dim3A : vector<1024x1xf32> to vector<1024x2xf32>
      %sub3A_29 = arith.subf %get3A_24, %sub3A : vector<1024x2xf32>
      %exp3A = math.exp %sub3A_29 : vector<1024x2xf32>
      %reduce_sum3A = arith.constant dense<0.000000e+00> : vector<1024xf32>
      %reduce_sum3A_30 = vector.multi_reduction <add>, %exp3A, %reduce_sum3A [1] : vector<1024x2xf32> to vector<1024xf32>
      %broadcast_in_dim3A_31 = vector.shape_cast %reduce_sum3A_30 : vector<1024xf32> to vector<1024x1xf32>
      %div3A = vector.broadcast %broadcast_in_dim3A_31 : vector<1024x1xf32> to vector<1024x2xf32>
      %div3A_32 = arith.divf %exp3A, %div3A : vector<1024x2xf32>
      %swap3A = arith.constant 0 : index
      %swap3A_33 = arith.constant 0 : index
      %swap3A_34 = vector.load %arg4[%swap3A, %swap3A_33] : memref<1024x2xf32, #tpu.memory_space<vmem>>, vector<1024x2xf32>
      tpu.vector_store %arg4[%swap3A, %swap3A_33], %div3A_32 {strides = array<i32>} : memref<1024x2xf32, #tpu.memory_space<vmem>>, vector<1024x2xf32>,
    } else {
    }
    return
  }
  func.func @transform_0(%arg0: i32) -> (i32, i32) {
    %c0_i32 = arith.constant 0 : i32
    %c0_i32_0 = arith.constant 0 : i32
    return %c0_i32, %arg0 : i32, i32
  }
  func.func @transform_1(%arg0: i32) -> (i32, i32) {
    %c0_i32 = arith.constant 0 : i32
    %c0_i32_0 = arith.constant 0 : i32
    return %arg0, %c0_i32 : i32, i32
  }
  func.func @transform_2(%arg0: i32) -> (i32, i32) {
    %c0_i32 = arith.constant 0 : i32
    %c0_i32_0 = arith.constant 0 : i32
    %c0_i32_1 = arith.constant 0 : i32
    return %c0_i32, %c0_i32_0 : i32, i32
  }
  func.func @transform_3(%arg0: i32) -> (i32, i32) {
    %c0_i32 = arith.constant 0 : i32
    %c0_i32_0 = arith.constant 0 : i32
    %c0_i32_1 = arith.constant 0 : i32
    return %c0_i32, %c0_i32_0 : i32, i32
  }
}

module attributes {stable_mosaic.version = 14 : i64} {
  func.func @_moe_kernel(%arg0: i32, %arg1: memref<1024x768xf32, #tpu.memory_space<vmem>>, %arg2: memref<768x8xf32, #tpu.memory_space<vmem>>, %arg3: memref<1x768x1536xf32, #tpu.memory_space<vmem>>, %arg4: memref<1x1x1536xf32, #tpu.memory_space<vmem>>, %arg5: memref<1x1536x768xf32, #tpu.memory_space<vmem>>, %arg6: memref<1x1x768xf32, #tpu.memory_space<vmem>>, %arg7: memref<1024x768xf32, #tpu.memory_space<vmem>>, %arg8: memref<1x1xf32, #tpu.memory_space<vmem>>, %arg9: memref<1024x8xf32, #tpu.memory_space<vmem>>) attributes {dimension_semantics = [#tpu.dimension_semantics<arbitrary>], iteration_bounds = array<i64: 8>, scalar_prefetch = 0 : i64, scratch_operands = 1 : i64, tpu.core_type = #tpu.core_type<tc>, window_params = [{pipeline_mode = #tpu.pipeline_mode<synchronous>, transform_indices = @transform_0, window_bounds = array<i64: 1024, 768>}, {pipeline_mode = #tpu.pipeline_mode<synchronous>, transform_indices = @transform_1, window_bounds = array<i64: 768, 8>}, {transform_indices = @transform_2, window_bounds = array<i64: 1, 768, 1536>}, {transform_indices = @transform_3, window_bounds = array<i64: 1, 1, 1536>}, {transform_indices = @transform_4, window_bounds = array<i64: 1, 1536, 768>}, {transform_indices = @transform_5, window_bounds = array<i64: 1, 1, 768>}, {pipeline_mode = #tpu.pipeline_mode<synchronous>, transform_indices = @transform_6, window_bounds = array<i64: 1024, 768>}, {pipeline_mode = #tpu.pipeline_mode<synchronous>, transform_indices = @transform_7, window_bounds = array<i64: 1, 1>}]} {
    %get3A = arith.constant 0 : index
    %get3A_0 = arith.constant 0 : index
    %get3A_1 = vector.load %arg1[%get3A, %get3A_0] : memref<1024x768xf32, #tpu.memory_space<vmem>>, vector<1024x768xf32>
    %eq3A = arith.constant 0 : i32
    %eq3A_2 = arith.cmpi eq, %arg0, %eq3A : i32
    %convert_element_type3A = arith.extui %eq3A_2 : i1 to i32
    %cond3A = arith.constant 0 : i32
    %cond3A_3 = arith.cmpi ne, %convert_element_type3A, %cond3A : i32
    scf.if %cond3A_3 {
      %get3A_118 = arith.constant 0 : index
      %get3A_119 = arith.constant 0 : index
      %get3A_120 = vector.load %arg2[%get3A_118, %get3A_119] : memref<768x8xf32, #tpu.memory_space<vmem>>, vector<768x8xf32>
      %convert_element_type3A_121 = arith.truncf %get3A_1 : vector<1024x768xf32> to vector<1024x768xbf16>
      %convert_element_type3A_122 = arith.truncf %get3A_120 : vector<768x8xf32> to vector<768x8xbf16>
      %dot_general3A_123 = arith.constant dense<0.000000e+00> : vector<1024x8xf32>
      %dot_general3A_124 = tpu.matmul %convert_element_type3A_121, %convert_element_type3A_122, %dot_general3A_123 {dimension_numbers = #tpu.dot_dimension_numbers<[1], [0], [0], [1], [0, 0, 1, 1], [], []>, transpose_lhs_hint = false} : vector<1024x768xbf16>, vector<768x8xbf16>, vector<1024x8xf32> -> vector<1024x8xf32>
      %reduce_max3A = arith.constant dense<0xFF800000> : vector<1024xf32>
      %reduce_max3A_125 = vector.multi_reduction <maximumf>, %dot_general3A_124, %reduce_max3A [1] : vector<1024x8xf32> to vector<1024xf32>
      %max3A = arith.constant 0xFF800000 : f32
      %max3A_126 = vector.broadcast %max3A : f32 to vector<1024xf32>
      %max3A_127 = arith.maximumf %max3A_126, %reduce_max3A_125 : vector<1024xf32>
      %broadcast_in_dim3A_128 = vector.shape_cast %max3A_127 : vector<1024xf32> to vector<1024x1xf32>
      %sub3A = vector.broadcast %broadcast_in_dim3A_128 : vector<1024x1xf32> to vector<1024x8xf32>
      %sub3A_129 = arith.subf %dot_general3A_124, %sub3A : vector<1024x8xf32>
      %exp3A = math.exp %sub3A_129 : vector<1024x8xf32>
      %reduce_sum3A_130 = arith.constant dense<0.000000e+00> : vector<1024xf32>
      %reduce_sum3A_131 = vector.multi_reduction <add>, %exp3A, %reduce_sum3A_130 [1] : vector<1024x8xf32> to vector<1024xf32>
      %broadcast_in_dim3A_132 = vector.shape_cast %reduce_sum3A_131 : vector<1024xf32> to vector<1024x1xf32>
      %div3A = vector.broadcast %broadcast_in_dim3A_132 : vector<1024x1xf32> to vector<1024x8xf32>
      %div3A_133 = arith.divf %exp3A, %div3A : vector<1024x8xf32>
      %iota3A_134 = tpu.iota {dimensions = array<i32: 1>} : vector<1024x8xi32>
      %reduce_max3A_135 = arith.constant dense<0xFF800000> : vector<1024xf32>
      %reduce_max3A_136 = vector.multi_reduction <maximumf>, %div3A_133, %reduce_max3A_135 [1] : vector<1024x8xf32> to vector<1024xf32>
      %broadcast_in_dim3A_137 = vector.shape_cast %reduce_max3A_136 : vector<1024xf32> to vector<1024x1xf32>
      %eq3A_138 = vector.broadcast %broadcast_in_dim3A_137 : vector<1024x1xf32> to vector<1024x8xf32>
      %eq3A_139 = arith.cmpf oeq, %div3A_133, %eq3A_138 : vector<1024x8xf32>
      %jit3A = arith.constant 8 : i32
      %broadcast_in_dim3A_140 = vector.broadcast %jit3A : i32 to vector<1024x8xi32>
      %select_n3A = arith.select %eq3A_139, %iota3A_134, %broadcast_in_dim3A_140 : vector<1024x8xi1>, vector<1024x8xi32>
      %reduce_min3A = arith.constant dense<2147483647> : vector<1024xi32>
      %reduce_min3A_141 = vector.multi_reduction <minsi>, %select_n3A, %reduce_min3A [1] : vector<1024x8xi32> to vector<1024xi32>
      %broadcast_in_dim3A_142 = vector.shape_cast %reduce_min3A_141 : vector<1024xi32> to vector<1024x1xi32>
      %eq3A_143 = vector.broadcast %broadcast_in_dim3A_142 : vector<1024x1xi32> to vector<1024x8xi32>
      %eq3A_144 = arith.cmpi eq, %iota3A_134, %eq3A_143 : vector<1024x8xi32>
      %jit3A_145 = arith.constant 0xFF800000 : f32
      %broadcast_in_dim3A_146 = vector.broadcast %jit3A_145 : f32 to vector<1024x8xf32>
      %select_n3A_147 = arith.select %eq3A_144, %broadcast_in_dim3A_146, %div3A_133 : vector<1024x8xi1>, vector<1024x8xf32>
      %reduce_max3A_148 = arith.constant dense<0xFF800000> : vector<1024xf32>
      %reduce_max3A_149 = vector.multi_reduction <maximumf>, %select_n3A_147, %reduce_max3A_148 [1] : vector<1024x8xf32> to vector<1024xf32>
      %broadcast_in_dim3A_150 = vector.shape_cast %reduce_max3A_149 : vector<1024xf32> to vector<1024x1xf32>
      %eq3A_151 = vector.broadcast %broadcast_in_dim3A_150 : vector<1024x1xf32> to vector<1024x8xf32>
      %eq3A_152 = arith.cmpf oeq, %select_n3A_147, %eq3A_151 : vector<1024x8xf32>
      %jit3A_153 = arith.constant 8 : i32
      %broadcast_in_dim3A_154 = vector.broadcast %jit3A_153 : i32 to vector<1024x8xi32>
      %select_n3A_155 = arith.select %eq3A_152, %iota3A_134, %broadcast_in_dim3A_154 : vector<1024x8xi1>, vector<1024x8xi32>
      %reduce_min3A_156 = arith.constant dense<2147483647> : vector<1024xi32>
      %reduce_min3A_157 = vector.multi_reduction <minsi>, %select_n3A_155, %reduce_min3A_156 [1] : vector<1024x8xi32> to vector<1024xi32>
      %broadcast_in_dim3A_158 = vector.shape_cast %reduce_min3A_157 : vector<1024xi32> to vector<1024x1xi32>
      %eq3A_159 = vector.broadcast %broadcast_in_dim3A_158 : vector<1024x1xi32> to vector<1024x8xi32>
      %eq3A_160 = arith.cmpi eq, %iota3A_134, %eq3A_159 : vector<1024x8xi32>
      %or3A = arith.ori %eq3A_144, %eq3A_160 : vector<1024x8xi1>
      %convert_element_type3A_161 = arith.extui %or3A : vector<1024x8xi1> to vector<1024x8xi32>
      %convert_element_type3A_162 = arith.sitofp %convert_element_type3A_161 : vector<1024x8xi32> to vector<1024x8xf32>
      %mul3A_163 = arith.mulf %div3A_133, %convert_element_type3A_162 : vector<1024x8xf32>
      %swap3A = arith.constant 0 : index
      %swap3A_164 = arith.constant 0 : index
      %swap3A_165 = vector.load %arg9[%swap3A, %swap3A_164] : memref<1024x8xf32, #tpu.memory_space<vmem>>, vector<1024x8xf32>
      tpu.vector_store %arg9[%swap3A, %swap3A_164], %mul3A_163 {strides = array<i32>} : memref<1024x8xf32, #tpu.memory_space<vmem>>, vector<1024x8xf32>,
      %reduce_sum3A_166 = arith.constant dense<0.000000e+00> : vector<8xf32>
      %reduce_sum3A_167 = vector.multi_reduction <add>, %div3A_133, %reduce_sum3A_166 [0] : vector<1024x8xf32> to vector<8xf32>
      %broadcast_in_dim3A_168 = vector.shape_cast %reduce_sum3A_167 : vector<8xf32> to vector<1x8xf32>
      %div3A_169 = arith.constant 1.024000e+03 : f32
      %div3A_170 = vector.broadcast %div3A_169 : f32 to vector<1x8xf32>
      %div3A_171 = arith.divf %broadcast_in_dim3A_168, %div3A_170 : vector<1x8xf32>
      %reduce_sum3A_172 = arith.constant dense<0.000000e+00> : vector<8xf32>
      %reduce_sum3A_173 = vector.multi_reduction <add>, %convert_element_type3A_162, %reduce_sum3A_172 [0] : vector<1024x8xf32> to vector<8xf32>
      %broadcast_in_dim3A_174 = vector.shape_cast %reduce_sum3A_173 : vector<8xf32> to vector<1x8xf32>
      %div3A_175 = arith.constant 1.024000e+03 : f32
      %div3A_176 = vector.broadcast %div3A_175 : f32 to vector<1x8xf32>
      %div3A_177 = arith.divf %broadcast_in_dim3A_174, %div3A_176 : vector<1x8xf32>
      %mul3A_178 = arith.mulf %div3A_171, %div3A_177 : vector<1x8xf32>
      %reduce_sum3A_179 = vector.shape_cast %mul3A_178 : vector<1x8xf32> to vector<1x1x8xf32>
      %reduce_sum3A_180 = arith.constant dense<0.000000e+00> : vector<1xf32>
      %reduce_sum3A_181 = vector.multi_reduction <add>, %reduce_sum3A_179, %reduce_sum3A_180 [1, 2] : vector<1x1x8xf32> to vector<1xf32>
      %reduce_sum3A_182 = vector.shape_cast %reduce_sum3A_181 : vector<1xf32> to vector<1x1x1xf32>
      %reduce_sum3A_183 = vector.extract %reduce_sum3A_182[0, 0, 0] : f32 from vector<1x1x1xf32>
      %mul3A_184 = arith.constant 8.000000e+00 : f32
      %mul3A_185 = arith.mulf %reduce_sum3A_183, %mul3A_184 : f32
      %reshape3A = vector.broadcast %mul3A_185 : f32 to vector<1x1xf32>
      %swap3A_186 = arith.constant 0 : index
      %swap3A_187 = arith.constant 0 : index
      %swap3A_188 = vector.load %arg8[%swap3A_186, %swap3A_187] : memref<1x1xf32, #tpu.memory_space<vmem>>, vector<1x1xf32>
      tpu.vector_store %arg8[%swap3A_186, %swap3A_187], %reshape3A {strides = array<i32>} : memref<1x1xf32, #tpu.memory_space<vmem>>, vector<1x1xf32>,
    } else {
    }
    %get3A_4 = arith.constant 0 : index
    %get3A_5 = arith.constant 0 : index
    %get3A_6 = vector.load %arg9[%get3A_4, %get3A_5] : memref<1024x8xf32, #tpu.memory_space<vmem>>, vector<1024x8xf32>
    %iota3A = tpu.iota {dimensions = array<i32: 1>} : vector<1024x8xi32>
    %eq3A_7 = vector.broadcast %arg0 : i32 to vector<1024x8xi32>
    %eq3A_8 = arith.cmpi eq, %iota3A, %eq3A_7 : vector<1024x8xi32>
    %convert_element_type3A_9 = arith.extui %eq3A_8 : vector<1024x8xi1> to vector<1024x8xi32>
    %convert_element_type3A_10 = arith.sitofp %convert_element_type3A_9 : vector<1024x8xi32> to vector<1024x8xf32>
    %mul3A = arith.mulf %get3A_6, %convert_element_type3A_10 : vector<1024x8xf32>
    %reduce_sum3A = arith.constant dense<0.000000e+00> : vector<1024xf32>
    %reduce_sum3A_11 = vector.multi_reduction <add>, %mul3A, %reduce_sum3A [1] : vector<1024x8xf32> to vector<1024xf32>
    %broadcast_in_dim3A = vector.shape_cast %reduce_sum3A_11 : vector<1024xf32> to vector<1024x1xf32>
    %slice3A = vector.extract_strided_slice %get3A_1 {offsets = [0, 0], sizes = [512, 768], strides = [1, 1]} : vector<1024x768xf32> to vector<512x768xf32>
    %get3A_12 = arith.constant 0 : index
    %get3A_13 = arith.constant 0 : index
    %get3A_14 = arith.constant 0 : index
    %get3A_15 = vector.load %arg3[%get3A_12, %get3A_13, %get3A_14] : memref<1x768x1536xf32, #tpu.memory_space<vmem>>, vector<1x768x1536xf32>
    %get3A_16 = vector.shape_cast %get3A_15 : vector<1x768x1536xf32> to vector<768x1536xf32>
    %convert_element_type3A_17 = arith.truncf %slice3A : vector<512x768xf32> to vector<512x768xbf16>
    %convert_element_type3A_18 = arith.truncf %get3A_16 : vector<768x1536xf32> to vector<768x1536xbf16>
    %dot_general3A = arith.constant dense<0.000000e+00> : vector<512x1536xf32>
    %dot_general3A_19 = tpu.matmul %convert_element_type3A_17, %convert_element_type3A_18, %dot_general3A {dimension_numbers = #tpu.dot_dimension_numbers<[1], [0], [0], [1], [0, 0, 1, 1], [], []>, transpose_lhs_hint = false} : vector<512x768xbf16>, vector<768x1536xbf16>, vector<512x1536xf32> -> vector<512x1536xf32>
    %get3A_20 = arith.constant 0 : index
    %get3A_21 = arith.constant 0 : index
    %get3A_22 = arith.constant 0 : index
    %get3A_23 = vector.load %arg4[%get3A_20, %get3A_21, %get3A_22] : memref<1x1x1536xf32, #tpu.memory_space<vmem>>, vector<1x1x1536xf32>
    %get3A_24 = vector.shape_cast %get3A_23 : vector<1x1x1536xf32> to vector<1x1536xf32>
    %add3A = vector.broadcast %get3A_24 : vector<1x1536xf32> to vector<512x1536xf32>
    %add3A_25 = arith.addf %dot_general3A_19, %add3A : vector<512x1536xf32>
    %integer_pow3A = arith.mulf %add3A_25, %add3A_25 : vector<512x1536xf32>
    %integer_pow3A_26 = arith.mulf %add3A_25, %integer_pow3A : vector<512x1536xf32>
    %mul3A_27 = arith.constant 4.471500e-02 : f32
    %mul3A_28 = vector.broadcast %mul3A_27 : f32 to vector<512x1536xf32>
    %mul3A_29 = arith.mulf %mul3A_28, %integer_pow3A_26 : vector<512x1536xf32>
    %add3A_30 = arith.addf %add3A_25, %mul3A_29 : vector<512x1536xf32>
    %mul3A_31 = arith.constant 0.797884583 : f32
    %mul3A_32 = vector.broadcast %mul3A_31 : f32 to vector<512x1536xf32>
    %mul3A_33 = arith.mulf %mul3A_32, %add3A_30 : vector<512x1536xf32>
    %tanh3A = math.tanh %mul3A_33 : vector<512x1536xf32>
    %add3A_34 = arith.constant 1.000000e+00 : f32
    %add3A_35 = vector.broadcast %add3A_34 : f32 to vector<512x1536xf32>
    %add3A_36 = arith.addf %add3A_35, %tanh3A : vector<512x1536xf32>
    %mul3A_37 = arith.constant 5.000000e-01 : f32
    %mul3A_38 = vector.broadcast %mul3A_37 : f32 to vector<512x1536xf32>
    %mul3A_39 = arith.mulf %mul3A_38, %add3A_36 : vector<512x1536xf32>
    %mul3A_40 = arith.mulf %add3A_25, %mul3A_39 : vector<512x1536xf32>
    %get3A_41 = arith.constant 0 : index
    %get3A_42 = arith.constant 0 : index
    %get3A_43 = arith.constant 0 : index
    %get3A_44 = vector.load %arg5[%get3A_41, %get3A_42, %get3A_43] : memref<1x1536x768xf32, #tpu.memory_space<vmem>>, vector<1x1536x768xf32>
    %get3A_45 = vector.shape_cast %get3A_44 : vector<1x1536x768xf32> to vector<1536x768xf32>
    %convert_element_type3A_46 = arith.truncf %mul3A_40 : vector<512x1536xf32> to vector<512x1536xbf16>
    %convert_element_type3A_47 = arith.truncf %get3A_45 : vector<1536x768xf32> to vector<1536x768xbf16>
    %dot_general3A_48 = arith.constant dense<0.000000e+00> : vector<512x768xf32>
    %dot_general3A_49 = tpu.matmul %convert_element_type3A_46, %convert_element_type3A_47, %dot_general3A_48 {dimension_numbers = #tpu.dot_dimension_numbers<[1], [0], [0], [1], [0, 0, 1, 1], [], []>, transpose_lhs_hint = false} : vector<512x1536xbf16>, vector<1536x768xbf16>, vector<512x768xf32> -> vector<512x768xf32>
    %get3A_50 = arith.constant 0 : index
    %get3A_51 = arith.constant 0 : index
    %get3A_52 = arith.constant 0 : index
    %get3A_53 = vector.load %arg6[%get3A_50, %get3A_51, %get3A_52] : memref<1x1x768xf32, #tpu.memory_space<vmem>>, vector<1x1x768xf32>
    %get3A_54 = vector.shape_cast %get3A_53 : vector<1x1x768xf32> to vector<1x768xf32>
    %add3A_55 = vector.broadcast %get3A_54 : vector<1x768xf32> to vector<512x768xf32>
    %add3A_56 = arith.addf %dot_general3A_49, %add3A_55 : vector<512x768xf32>
    %slice3A_57 = vector.extract_strided_slice %get3A_1 {offsets = [512, 0], sizes = [512, 768], strides = [1, 1]} : vector<1024x768xf32> to vector<512x768xf32>
    %get3A_58 = arith.constant 0 : index
    %get3A_59 = arith.constant 0 : index
    %get3A_60 = arith.constant 0 : index
    %get3A_61 = vector.load %arg3[%get3A_58, %get3A_59, %get3A_60] : memref<1x768x1536xf32, #tpu.memory_space<vmem>>, vector<1x768x1536xf32>
    %get3A_62 = vector.shape_cast %get3A_61 : vector<1x768x1536xf32> to vector<768x1536xf32>
    %convert_element_type3A_63 = arith.truncf %slice3A_57 : vector<512x768xf32> to vector<512x768xbf16>
    %convert_element_type3A_64 = arith.truncf %get3A_62 : vector<768x1536xf32> to vector<768x1536xbf16>
    %dot_general3A_65 = arith.constant dense<0.000000e+00> : vector<512x1536xf32>
    %dot_general3A_66 = tpu.matmul %convert_element_type3A_63, %convert_element_type3A_64, %dot_general3A_65 {dimension_numbers = #tpu.dot_dimension_numbers<[1], [0], [0], [1], [0, 0, 1, 1], [], []>, transpose_lhs_hint = false} : vector<512x768xbf16>, vector<768x1536xbf16>, vector<512x1536xf32> -> vector<512x1536xf32>
    %get3A_67 = arith.constant 0 : index
    %get3A_68 = arith.constant 0 : index
    %get3A_69 = arith.constant 0 : index
    %get3A_70 = vector.load %arg4[%get3A_67, %get3A_68, %get3A_69] : memref<1x1x1536xf32, #tpu.memory_space<vmem>>, vector<1x1x1536xf32>
    %get3A_71 = vector.shape_cast %get3A_70 : vector<1x1x1536xf32> to vector<1x1536xf32>
    %add3A_72 = vector.broadcast %get3A_71 : vector<1x1536xf32> to vector<512x1536xf32>
    %add3A_73 = arith.addf %dot_general3A_66, %add3A_72 : vector<512x1536xf32>
    %integer_pow3A_74 = arith.mulf %add3A_73, %add3A_73 : vector<512x1536xf32>
    %integer_pow3A_75 = arith.mulf %add3A_73, %integer_pow3A_74 : vector<512x1536xf32>
    %mul3A_76 = arith.constant 4.471500e-02 : f32
    %mul3A_77 = vector.broadcast %mul3A_76 : f32 to vector<512x1536xf32>
    %mul3A_78 = arith.mulf %mul3A_77, %integer_pow3A_75 : vector<512x1536xf32>
    %add3A_79 = arith.addf %add3A_73, %mul3A_78 : vector<512x1536xf32>
    %mul3A_80 = arith.constant 0.797884583 : f32
    %mul3A_81 = vector.broadcast %mul3A_80 : f32 to vector<512x1536xf32>
    %mul3A_82 = arith.mulf %mul3A_81, %add3A_79 : vector<512x1536xf32>
    %tanh3A_83 = math.tanh %mul3A_82 : vector<512x1536xf32>
    %add3A_84 = arith.constant 1.000000e+00 : f32
    %add3A_85 = vector.broadcast %add3A_84 : f32 to vector<512x1536xf32>
    %add3A_86 = arith.addf %add3A_85, %tanh3A_83 : vector<512x1536xf32>
    %mul3A_87 = arith.constant 5.000000e-01 : f32
    %mul3A_88 = vector.broadcast %mul3A_87 : f32 to vector<512x1536xf32>
    %mul3A_89 = arith.mulf %mul3A_88, %add3A_86 : vector<512x1536xf32>
    %mul3A_90 = arith.mulf %add3A_73, %mul3A_89 : vector<512x1536xf32>
    %get3A_91 = arith.constant 0 : index
    %get3A_92 = arith.constant 0 : index
    %get3A_93 = arith.constant 0 : index
    %get3A_94 = vector.load %arg5[%get3A_91, %get3A_92, %get3A_93] : memref<1x1536x768xf32, #tpu.memory_space<vmem>>, vector<1x1536x768xf32>
    %get3A_95 = vector.shape_cast %get3A_94 : vector<1x1536x768xf32> to vector<1536x768xf32>
    %convert_element_type3A_96 = arith.truncf %mul3A_90 : vector<512x1536xf32> to vector<512x1536xbf16>
    %convert_element_type3A_97 = arith.truncf %get3A_95 : vector<1536x768xf32> to vector<1536x768xbf16>
    %dot_general3A_98 = arith.constant dense<0.000000e+00> : vector<512x768xf32>
    %dot_general3A_99 = tpu.matmul %convert_element_type3A_96, %convert_element_type3A_97, %dot_general3A_98 {dimension_numbers = #tpu.dot_dimension_numbers<[1], [0], [0], [1], [0, 0, 1, 1], [], []>, transpose_lhs_hint = false} : vector<512x1536xbf16>, vector<1536x768xbf16>, vector<512x768xf32> -> vector<512x768xf32>
    %get3A_100 = arith.constant 0 : index
    %get3A_101 = arith.constant 0 : index
    %get3A_102 = arith.constant 0 : index
    %get3A_103 = vector.load %arg6[%get3A_100, %get3A_101, %get3A_102] : memref<1x1x768xf32, #tpu.memory_space<vmem>>, vector<1x1x768xf32>
    %get3A_104 = vector.shape_cast %get3A_103 : vector<1x1x768xf32> to vector<1x768xf32>
    %add3A_105 = vector.broadcast %get3A_104 : vector<1x768xf32> to vector<512x768xf32>
    %add3A_106 = arith.addf %dot_general3A_99, %add3A_105 : vector<512x768xf32>
    %concatenate3A = tpu.concatenate %add3A_56, %add3A_106 in 0 : vector<512x768xf32>, vector<512x768xf32> -> vector<1024x768xf32>
    %mul3A_107 = vector.broadcast %broadcast_in_dim3A : vector<1024x1xf32> to vector<1024x768xf32>
    %mul3A_108 = arith.mulf %mul3A_107, %concatenate3A : vector<1024x768xf32>
    %eq3A_109 = arith.constant 0 : i32
    %eq3A_110 = arith.cmpi eq, %arg0, %eq3A_109 : i32
    %convert_element_type3A_111 = arith.extui %eq3A_110 : i1 to i32
    %cond3A_112 = arith.constant 0 : i32
    %cond3A_113 = arith.cmpi ne, %convert_element_type3A_111, %cond3A_112 : i32
    scf.if %cond3A_113 {
      %swap3A = arith.constant 0 : index
      %swap3A_118 = arith.constant 0 : index
      %swap3A_119 = vector.load %arg7[%swap3A, %swap3A_118] : memref<1024x768xf32, #tpu.memory_space<vmem>>, vector<1024x768xf32>
      tpu.vector_store %arg7[%swap3A, %swap3A_118], %mul3A_108 {strides = array<i32>} : memref<1024x768xf32, #tpu.memory_space<vmem>>, vector<1024x768xf32>,
    } else {
    }
    %gt3A = arith.constant 0 : i32
    %gt3A_114 = arith.cmpi sgt, %arg0, %gt3A : i32
    %convert_element_type3A_115 = arith.extui %gt3A_114 : i1 to i32
    %cond3A_116 = arith.constant 0 : i32
    %cond3A_117 = arith.cmpi ne, %convert_element_type3A_115, %cond3A_116 : i32
    scf.if %cond3A_117 {
      %get3A_118 = arith.constant 0 : index
      %get3A_119 = arith.constant 0 : index
      %get3A_120 = vector.load %arg7[%get3A_118, %get3A_119] : memref<1024x768xf32, #tpu.memory_space<vmem>>, vector<1024x768xf32>
      %add3A_121 = arith.addf %get3A_120, %mul3A_108 : vector<1024x768xf32>
      %swap3A = arith.constant 0 : index
      %swap3A_122 = arith.constant 0 : index
      %swap3A_123 = vector.load %arg7[%swap3A, %swap3A_122] : memref<1024x768xf32, #tpu.memory_space<vmem>>, vector<1024x768xf32>
      tpu.vector_store %arg7[%swap3A, %swap3A_122], %add3A_121 {strides = array<i32>} : memref<1024x768xf32, #tpu.memory_space<vmem>>, vector<1024x768xf32>,
    } else {
    }
    return
  }
  func.func @transform_0(%arg0: i32) -> (i32, i32) {
    %c0_i32 = arith.constant 0 : i32
    %c0_i32_0 = arith.constant 0 : i32
    %c0_i32_1 = arith.constant 0 : i32
    return %c0_i32, %c0_i32_0 : i32, i32
  }
  func.func @transform_1(%arg0: i32) -> (i32, i32) {
    %c0_i32 = arith.constant 0 : i32
    %c0_i32_0 = arith.constant 0 : i32
    %c0_i32_1 = arith.constant 0 : i32
    return %c0_i32, %c0_i32_0 : i32, i32
  }
  func.func @transform_2(%arg0: i32) -> (i32, i32, i32) {
    %c0_i32 = arith.constant 0 : i32
    %c0_i32_0 = arith.constant 0 : i32
    %c0_i32_1 = arith.constant 0 : i32
    return %arg0, %c0_i32, %c0_i32_0 : i32, i32, i32
  }
  func.func @transform_3(%arg0: i32) -> (i32, i32, i32) {
    %c0_i32 = arith.constant 0 : i32
    %c0_i32_0 = arith.constant 0 : i32
    %c0_i32_1 = arith.constant 0 : i32
    return %arg0, %c0_i32, %c0_i32_0 : i32, i32, i32
  }
  func.func @transform_4(%arg0: i32) -> (i32, i32, i32) {
    %c0_i32 = arith.constant 0 : i32
    %c0_i32_0 = arith.constant 0 : i32
    %c0_i32_1 = arith.constant 0 : i32
    return %arg0, %c0_i32, %c0_i32_0 : i32, i32, i32
  }
  func.func @transform_5(%arg0: i32) -> (i32, i32, i32) {
    %c0_i32 = arith.constant 0 : i32
    %c0_i32_0 = arith.constant 0 : i32
    %c0_i32_1 = arith.constant 0 : i32
    return %arg0, %c0_i32, %c0_i32_0 : i32, i32, i32
  }
  func.func @transform_6(%arg0: i32) -> (i32, i32) {
    %c0_i32 = arith.constant 0 : i32
    %c0_i32_0 = arith.constant 0 : i32
    %c0_i32_1 = arith.constant 0 : i32
    return %c0_i32, %c0_i32_0 : i32, i32
  }
  func.func @transform_7(%arg0: i32) -> (i32, i32) {
    %c0_i32 = arith.constant 0 : i32
    %c0_i32_0 = arith.constant 0 : i32
    %c0_i32_1 = arith.constant 0 : i32
    return %c0_i32, %c0_i32_0 : i32, i32
  }
}

module attributes {stable_mosaic.version = 14 : i64} {
  func.func @_front_kernel(%arg0: memref<1024x512xf32, #tpu.memory_space<vmem>>, %arg1: memref<512x768xf32, #tpu.memory_space<vmem>>, %arg2: memref<1x768xf32, #tpu.memory_space<vmem>>, %arg3: memref<1x768xf32, #tpu.memory_space<vmem>>, %arg4: memref<1x768xf32, #tpu.memory_space<vmem>>, %arg5: memref<1024x768xf32, #tpu.memory_space<vmem>>) attributes {dimension_semantics = [], scalar_prefetch = 0 : i64, scratch_operands = 0 : i64, tpu.core_type = #tpu.core_type<tc>} {
    %get3A = arith.constant 0 : index
    %get3A_0 = arith.constant 0 : index
    %get3A_1 = vector.load %arg0[%get3A, %get3A_0] : memref<1024x512xf32, #tpu.memory_space<vmem>>, vector<1024x512xf32>
    %jit3A = arith.constant -5.000000e+00 : f32
    %jit3A_2 = arith.constant 5.000000e+00 : f32
    %max3A = vector.broadcast %jit3A : f32 to vector<1024x512xf32>
    %max3A_3 = arith.maximumf %max3A, %get3A_1 : vector<1024x512xf32>
    %min3A = vector.broadcast %jit3A_2 : f32 to vector<1024x512xf32>
    %min3A_4 = arith.minimumf %min3A, %max3A_3 : vector<1024x512xf32>
    %get3A_5 = arith.constant 0 : index
    %get3A_6 = arith.constant 0 : index
    %get3A_7 = vector.load %arg1[%get3A_5, %get3A_6] : memref<512x768xf32, #tpu.memory_space<vmem>>, vector<512x768xf32>
    %convert_element_type3A = arith.truncf %min3A_4 : vector<1024x512xf32> to vector<1024x512xbf16>
    %convert_element_type3A_8 = arith.truncf %get3A_7 : vector<512x768xf32> to vector<512x768xbf16>
    %dot_general3A = arith.constant dense<0.000000e+00> : vector<1024x768xf32>
    %dot_general3A_9 = tpu.matmul %convert_element_type3A, %convert_element_type3A_8, %dot_general3A {dimension_numbers = #tpu.dot_dimension_numbers<[1], [0], [0], [1], [0, 0, 1, 1], [], []>, transpose_lhs_hint = false} : vector<1024x512xbf16>, vector<512x768xbf16>, vector<1024x768xf32> -> vector<1024x768xf32>
    %get3A_10 = arith.constant 0 : index
    %get3A_11 = arith.constant 0 : index
    %get3A_12 = vector.load %arg2[%get3A_10, %get3A_11] : memref<1x768xf32, #tpu.memory_space<vmem>>, vector<1x768xf32>
    %add3A = vector.broadcast %get3A_12 : vector<1x768xf32> to vector<1024x768xf32>
    %add3A_13 = arith.addf %dot_general3A_9, %add3A : vector<1024x768xf32>
    %integer_pow3A = arith.mulf %add3A_13, %add3A_13 : vector<1024x768xf32>
    %integer_pow3A_14 = arith.mulf %add3A_13, %integer_pow3A : vector<1024x768xf32>
    %mul3A = arith.constant 4.471500e-02 : f32
    %mul3A_15 = vector.broadcast %mul3A : f32 to vector<1024x768xf32>
    %mul3A_16 = arith.mulf %mul3A_15, %integer_pow3A_14 : vector<1024x768xf32>
    %add3A_17 = arith.addf %add3A_13, %mul3A_16 : vector<1024x768xf32>
    %mul3A_18 = arith.constant 0.797884583 : f32
    %mul3A_19 = vector.broadcast %mul3A_18 : f32 to vector<1024x768xf32>
    %mul3A_20 = arith.mulf %mul3A_19, %add3A_17 : vector<1024x768xf32>
    %tanh3A = math.tanh %mul3A_20 : vector<1024x768xf32>
    %add3A_21 = arith.constant 1.000000e+00 : f32
    %add3A_22 = vector.broadcast %add3A_21 : f32 to vector<1024x768xf32>
    %add3A_23 = arith.addf %add3A_22, %tanh3A : vector<1024x768xf32>
    %mul3A_24 = arith.constant 5.000000e-01 : f32
    %mul3A_25 = vector.broadcast %mul3A_24 : f32 to vector<1024x768xf32>
    %mul3A_26 = arith.mulf %mul3A_25, %add3A_23 : vector<1024x768xf32>
    %mul3A_27 = arith.mulf %add3A_13, %mul3A_26 : vector<1024x768xf32>
    %get3A_28 = arith.constant 0 : index
    %get3A_29 = arith.constant 0 : index
    %get3A_30 = vector.load %arg3[%get3A_28, %get3A_29] : memref<1x768xf32, #tpu.memory_space<vmem>>, vector<1x768xf32>
    %get3A_31 = arith.constant 0 : index
    %get3A_32 = arith.constant 0 : index
    %get3A_33 = vector.load %arg4[%get3A_31, %get3A_32] : memref<1x768xf32, #tpu.memory_space<vmem>>, vector<1x768xf32>
    %reduce_sum3A = arith.constant dense<0.000000e+00> : vector<1024xf32>
    %reduce_sum3A_34 = vector.multi_reduction <add>, %mul3A_27, %reduce_sum3A [1] : vector<1024x768xf32> to vector<1024xf32>
    %broadcast_in_dim3A = vector.shape_cast %reduce_sum3A_34 : vector<1024xf32> to vector<1024x1xf32>
    %div3A = arith.constant 7.680000e+02 : f32
    %div3A_35 = vector.broadcast %div3A : f32 to vector<1024x1xf32>
    %div3A_36 = arith.divf %broadcast_in_dim3A, %div3A_35 : vector<1024x1xf32>
    %jit3A_37 = arith.constant 0 : i32
    %reduce_sum3A_38 = arith.constant dense<0.000000e+00> : vector<1024xf32>
    %reduce_sum3A_39 = vector.multi_reduction <add>, %mul3A_27, %reduce_sum3A_38 [1] : vector<1024x768xf32> to vector<1024xf32>
    %broadcast_in_dim3A_40 = vector.shape_cast %reduce_sum3A_39 : vector<1024xf32> to vector<1024x1xf32>
    %div3A_41 = arith.constant 7.680000e+02 : f32
    %div3A_42 = vector.broadcast %div3A_41 : f32 to vector<1024x1xf32>
    %div3A_43 = arith.divf %broadcast_in_dim3A_40, %div3A_42 : vector<1024x1xf32>
    %sub3A = vector.broadcast %div3A_43 : vector<1024x1xf32> to vector<1024x768xf32>
    %sub3A_44 = arith.subf %mul3A_27, %sub3A : vector<1024x768xf32>
    %square3A = arith.mulf %sub3A_44, %sub3A_44 : vector<1024x768xf32>
    %convert_element_type3A_45 = arith.sitofp %jit3A_37 : i32 to f32
    %sub3A_46 = arith.constant 7.680000e+02 : f32
    %sub3A_47 = arith.subf %sub3A_46, %convert_element_type3A_45 : f32
    %reduce_sum3A_48 = arith.constant dense<0.000000e+00> : vector<1024xf32>
    %reduce_sum3A_49 = vector.multi_reduction <add>, %square3A, %reduce_sum3A_48 [1] : vector<1024x768xf32> to vector<1024xf32>
    %broadcast_in_dim3A_50 = vector.shape_cast %reduce_sum3A_49 : vector<1024xf32> to vector<1024x1xf32>
    %div3A_51 = vector.broadcast %sub3A_47 : f32 to vector<1024x1xf32>
    %div3A_52 = arith.divf %broadcast_in_dim3A_50, %div3A_51 : vector<1024x1xf32>
    %gt3A = arith.constant 0.000000e+00 : f32
    %gt3A_53 = arith.cmpf ogt, %sub3A_47, %gt3A : f32
    %jit3A_54 = arith.constant 0x7FC00000 : f32
    %broadcast_in_dim3A_55 = vector.broadcast %jit3A_54 : f32 to vector<1024x1xf32>
    %select_n3A = arith.select %gt3A_53, %div3A_52, %broadcast_in_dim3A_55 : vector<1024x1xf32>
    %sub3A_56 = vector.broadcast %div3A_36 : vector<1024x1xf32> to vector<1024x768xf32>
    %sub3A_57 = arith.subf %mul3A_27, %sub3A_56 : vector<1024x768xf32>
    %add3A_58 = arith.constant 9.99999974E-6 : f32
    %add3A_59 = vector.broadcast %add3A_58 : f32 to vector<1024x1xf32>
    %add3A_60 = arith.addf %select_n3A, %add3A_59 : vector<1024x1xf32>
    %sqrt3A = math.sqrt %add3A_60 : vector<1024x1xf32>
    %div3A_61 = vector.broadcast %sqrt3A : vector<1024x1xf32> to vector<1024x768xf32>
    %div3A_62 = arith.divf %sub3A_57, %div3A_61 : vector<1024x768xf32>
    %mul3A_63 = vector.broadcast %get3A_30 : vector<1x768xf32> to vector<1024x768xf32>
    %mul3A_64 = arith.mulf %div3A_62, %mul3A_63 : vector<1024x768xf32>
    %add3A_65 = vector.broadcast %get3A_33 : vector<1x768xf32> to vector<1024x768xf32>
    %add3A_66 = arith.addf %mul3A_64, %add3A_65 : vector<1024x768xf32>
    %swap3A = arith.constant 0 : index
    %swap3A_67 = arith.constant 0 : index
    %swap3A_68 = vector.load %arg5[%swap3A, %swap3A_67] : memref<1024x768xf32, #tpu.memory_space<vmem>>, vector<1024x768xf32>
    tpu.vector_store %arg5[%swap3A, %swap3A_67], %add3A_66 {strides = array<i32>} : memref<1024x768xf32, #tpu.memory_space<vmem>>, vector<1024x768xf32>,
    return
  }
}

module attributes {stable_mosaic.version = 14 : i64} {
  func.func @_mix_kernel(%arg0: memref<1024x768xf32, #tpu.memory_space<vmem>>, %arg1: memref<1024x768xf32, #tpu.memory_space<vmem>>, %arg2: memref<1024x768xf32, #tpu.memory_space<vmem>>, %arg3: memref<1024x2xf32, #tpu.memory_space<vmem>>, %arg4: memref<1x768xf32, #tpu.memory_space<vmem>>, %arg5: memref<1x768xf32, #tpu.memory_space<vmem>>, %arg6: memref<768x768xf32, #tpu.memory_space<vmem>>, %arg7: memref<1x768xf32, #tpu.memory_space<vmem>>, %arg8: memref<1x768xf32, #tpu.memory_space<vmem>>, %arg9: memref<1x768xf32, #tpu.memory_space<vmem>>, %arg10: memref<768x768xf32, #tpu.memory_space<vmem>>, %arg11: memref<1x768xf32, #tpu.memory_space<vmem>>, %arg12: memref<768x3xf32, #tpu.memory_space<vmem>>, %arg13: memref<1x3xf32, #tpu.memory_space<vmem>>, %arg14: memref<768x3xf32, #tpu.memory_space<vmem>>, %arg15: memref<1x3xf32, #tpu.memory_space<vmem>>, %arg16: memref<1024x768xf32, #tpu.memory_space<vmem>>, %arg17: memref<1024x3xf32, #tpu.memory_space<vmem>>) attributes {dimension_semantics = [], scalar_prefetch = 0 : i64, scratch_operands = 0 : i64, tpu.core_type = #tpu.core_type<tc>} {
    %get3A = arith.constant 0 : index
    %get3A_0 = arith.constant 0 : index
    %get3A_1 = vector.load %arg0[%get3A, %get3A_0] : memref<1024x768xf32, #tpu.memory_space<vmem>>, vector<1024x768xf32>
    %get3A_2 = arith.constant 0 : index
    %get3A_3 = arith.constant 0 : index
    %get3A_4 = vector.load %arg1[%get3A_2, %get3A_3] : memref<1024x768xf32, #tpu.memory_space<vmem>>, vector<1024x768xf32>
    %get3A_5 = arith.constant 0 : index
    %get3A_6 = arith.constant 0 : index
    %get3A_7 = vector.load %arg3[%get3A_5, %get3A_6] : memref<1024x2xf32, #tpu.memory_space<vmem>>, vector<1024x1xf32>
    %get3A_8 = arith.constant 0 : index
    %get3A_9 = arith.constant 1 : index
    %get3A_10 = vector.load %arg3[%get3A_8, %get3A_9] : memref<1024x2xf32, #tpu.memory_space<vmem>>, vector<1024x1xf32>
    %get3A_11 = arith.constant 0 : index
    %get3A_12 = arith.constant 0 : index
    %get3A_13 = vector.load %arg4[%get3A_11, %get3A_12] : memref<1x768xf32, #tpu.memory_space<vmem>>, vector<1x768xf32>
    %get3A_14 = arith.constant 0 : index
    %get3A_15 = arith.constant 0 : index
    %get3A_16 = vector.load %arg5[%get3A_14, %get3A_15] : memref<1x768xf32, #tpu.memory_space<vmem>>, vector<1x768xf32>
    %reduce_sum3A = arith.constant dense<0.000000e+00> : vector<1024xf32>
    %reduce_sum3A_17 = vector.multi_reduction <add>, %get3A_1, %reduce_sum3A [1] : vector<1024x768xf32> to vector<1024xf32>
    %broadcast_in_dim3A = vector.shape_cast %reduce_sum3A_17 : vector<1024xf32> to vector<1024x1xf32>
    %div3A = arith.constant 7.680000e+02 : f32
    %div3A_18 = vector.broadcast %div3A : f32 to vector<1024x1xf32>
    %div3A_19 = arith.divf %broadcast_in_dim3A, %div3A_18 : vector<1024x1xf32>
    %jit3A = arith.constant 0 : i32
    %reduce_sum3A_20 = arith.constant dense<0.000000e+00> : vector<1024xf32>
    %reduce_sum3A_21 = vector.multi_reduction <add>, %get3A_1, %reduce_sum3A_20 [1] : vector<1024x768xf32> to vector<1024xf32>
    %broadcast_in_dim3A_22 = vector.shape_cast %reduce_sum3A_21 : vector<1024xf32> to vector<1024x1xf32>
    %div3A_23 = arith.constant 7.680000e+02 : f32
    %div3A_24 = vector.broadcast %div3A_23 : f32 to vector<1024x1xf32>
    %div3A_25 = arith.divf %broadcast_in_dim3A_22, %div3A_24 : vector<1024x1xf32>
    %sub3A = vector.broadcast %div3A_25 : vector<1024x1xf32> to vector<1024x768xf32>
    %sub3A_26 = arith.subf %get3A_1, %sub3A : vector<1024x768xf32>
    %square3A = arith.mulf %sub3A_26, %sub3A_26 : vector<1024x768xf32>
    %convert_element_type3A = arith.sitofp %jit3A : i32 to f32
    %sub3A_27 = arith.constant 7.680000e+02 : f32
    %sub3A_28 = arith.subf %sub3A_27, %convert_element_type3A : f32
    %reduce_sum3A_29 = arith.constant dense<0.000000e+00> : vector<1024xf32>
    %reduce_sum3A_30 = vector.multi_reduction <add>, %square3A, %reduce_sum3A_29 [1] : vector<1024x768xf32> to vector<1024xf32>
    %broadcast_in_dim3A_31 = vector.shape_cast %reduce_sum3A_30 : vector<1024xf32> to vector<1024x1xf32>
    %div3A_32 = vector.broadcast %sub3A_28 : f32 to vector<1024x1xf32>
    %div3A_33 = arith.divf %broadcast_in_dim3A_31, %div3A_32 : vector<1024x1xf32>
    %gt3A = arith.constant 0.000000e+00 : f32
    %gt3A_34 = arith.cmpf ogt, %sub3A_28, %gt3A : f32
    %jit3A_35 = arith.constant 0x7FC00000 : f32
    %broadcast_in_dim3A_36 = vector.broadcast %jit3A_35 : f32 to vector<1024x1xf32>
    %select_n3A = arith.select %gt3A_34, %div3A_33, %broadcast_in_dim3A_36 : vector<1024x1xf32>
    %sub3A_37 = vector.broadcast %div3A_19 : vector<1024x1xf32> to vector<1024x768xf32>
    %sub3A_38 = arith.subf %get3A_1, %sub3A_37 : vector<1024x768xf32>
    %add3A = arith.constant 9.99999974E-6 : f32
    %add3A_39 = vector.broadcast %add3A : f32 to vector<1024x1xf32>
    %add3A_40 = arith.addf %select_n3A, %add3A_39 : vector<1024x1xf32>
    %sqrt3A = math.sqrt %add3A_40 : vector<1024x1xf32>
    %div3A_41 = vector.broadcast %sqrt3A : vector<1024x1xf32> to vector<1024x768xf32>
    %div3A_42 = arith.divf %sub3A_38, %div3A_41 : vector<1024x768xf32>
    %mul3A = vector.broadcast %get3A_13 : vector<1x768xf32> to vector<1024x768xf32>
    %mul3A_43 = arith.mulf %div3A_42, %mul3A : vector<1024x768xf32>
    %add3A_44 = vector.broadcast %get3A_16 : vector<1x768xf32> to vector<1024x768xf32>
    %add3A_45 = arith.addf %mul3A_43, %add3A_44 : vector<1024x768xf32>
    %get3A_46 = arith.constant 0 : index
    %get3A_47 = arith.constant 0 : index
    %get3A_48 = vector.load %arg6[%get3A_46, %get3A_47] : memref<768x768xf32, #tpu.memory_space<vmem>>, vector<768x768xf32>
    %convert_element_type3A_49 = arith.truncf %add3A_45 : vector<1024x768xf32> to vector<1024x768xbf16>
    %convert_element_type3A_50 = arith.truncf %get3A_48 : vector<768x768xf32> to vector<768x768xbf16>
    %dot_general3A = arith.constant dense<0.000000e+00> : vector<1024x768xf32>
    %dot_general3A_51 = tpu.matmul %convert_element_type3A_49, %convert_element_type3A_50, %dot_general3A {dimension_numbers = #tpu.dot_dimension_numbers<[1], [0], [0], [1], [0, 0, 1, 1], [], []>, transpose_lhs_hint = false} : vector<1024x768xbf16>, vector<768x768xbf16>, vector<1024x768xf32> -> vector<1024x768xf32>
    %get3A_52 = arith.constant 0 : index
    %get3A_53 = arith.constant 0 : index
    %get3A_54 = vector.load %arg7[%get3A_52, %get3A_53] : memref<1x768xf32, #tpu.memory_space<vmem>>, vector<1x768xf32>
    %add3A_55 = vector.broadcast %get3A_54 : vector<1x768xf32> to vector<1024x768xf32>
    %add3A_56 = arith.addf %dot_general3A_51, %add3A_55 : vector<1024x768xf32>
    %integer_pow3A = arith.mulf %add3A_56, %add3A_56 : vector<1024x768xf32>
    %integer_pow3A_57 = arith.mulf %add3A_56, %integer_pow3A : vector<1024x768xf32>
    %mul3A_58 = arith.constant 4.471500e-02 : f32
    %mul3A_59 = vector.broadcast %mul3A_58 : f32 to vector<1024x768xf32>
    %mul3A_60 = arith.mulf %mul3A_59, %integer_pow3A_57 : vector<1024x768xf32>
    %add3A_61 = arith.addf %add3A_56, %mul3A_60 : vector<1024x768xf32>
    %mul3A_62 = arith.constant 0.797884583 : f32
    %mul3A_63 = vector.broadcast %mul3A_62 : f32 to vector<1024x768xf32>
    %mul3A_64 = arith.mulf %mul3A_63, %add3A_61 : vector<1024x768xf32>
    %tanh3A = math.tanh %mul3A_64 : vector<1024x768xf32>
    %add3A_65 = arith.constant 1.000000e+00 : f32
    %add3A_66 = vector.broadcast %add3A_65 : f32 to vector<1024x768xf32>
    %add3A_67 = arith.addf %add3A_66, %tanh3A : vector<1024x768xf32>
    %mul3A_68 = arith.constant 5.000000e-01 : f32
    %mul3A_69 = vector.broadcast %mul3A_68 : f32 to vector<1024x768xf32>
    %mul3A_70 = arith.mulf %mul3A_69, %add3A_67 : vector<1024x768xf32>
    %mul3A_71 = arith.mulf %add3A_56, %mul3A_70 : vector<1024x768xf32>
    %add3A_72 = arith.addf %get3A_1, %mul3A_71 : vector<1024x768xf32>
    %get3A_73 = arith.constant 0 : index
    %get3A_74 = arith.constant 0 : index
    %get3A_75 = vector.load %arg8[%get3A_73, %get3A_74] : memref<1x768xf32, #tpu.memory_space<vmem>>, vector<1x768xf32>
    %get3A_76 = arith.constant 0 : index
    %get3A_77 = arith.constant 0 : index
    %get3A_78 = vector.load %arg9[%get3A_76, %get3A_77] : memref<1x768xf32, #tpu.memory_space<vmem>>, vector<1x768xf32>
    %reduce_sum3A_79 = arith.constant dense<0.000000e+00> : vector<1024xf32>
    %reduce_sum3A_80 = vector.multi_reduction <add>, %get3A_4, %reduce_sum3A_79 [1] : vector<1024x768xf32> to vector<1024xf32>
    %broadcast_in_dim3A_81 = vector.shape_cast %reduce_sum3A_80 : vector<1024xf32> to vector<1024x1xf32>
    %div3A_82 = arith.constant 7.680000e+02 : f32
    %div3A_83 = vector.broadcast %div3A_82 : f32 to vector<1024x1xf32>
    %div3A_84 = arith.divf %broadcast_in_dim3A_81, %div3A_83 : vector<1024x1xf32>
    %jit3A_85 = arith.constant 0 : i32
    %reduce_sum3A_86 = arith.constant dense<0.000000e+00> : vector<1024xf32>
    %reduce_sum3A_87 = vector.multi_reduction <add>, %get3A_4, %reduce_sum3A_86 [1] : vector<1024x768xf32> to vector<1024xf32>
    %broadcast_in_dim3A_88 = vector.shape_cast %reduce_sum3A_87 : vector<1024xf32> to vector<1024x1xf32>
    %div3A_89 = arith.constant 7.680000e+02 : f32
    %div3A_90 = vector.broadcast %div3A_89 : f32 to vector<1024x1xf32>
    %div3A_91 = arith.divf %broadcast_in_dim3A_88, %div3A_90 : vector<1024x1xf32>
    %sub3A_92 = vector.broadcast %div3A_91 : vector<1024x1xf32> to vector<1024x768xf32>
    %sub3A_93 = arith.subf %get3A_4, %sub3A_92 : vector<1024x768xf32>
    %square3A_94 = arith.mulf %sub3A_93, %sub3A_93 : vector<1024x768xf32>
    %convert_element_type3A_95 = arith.sitofp %jit3A_85 : i32 to f32
    %sub3A_96 = arith.constant 7.680000e+02 : f32
    %sub3A_97 = arith.subf %sub3A_96, %convert_element_type3A_95 : f32
    %reduce_sum3A_98 = arith.constant dense<0.000000e+00> : vector<1024xf32>
    %reduce_sum3A_99 = vector.multi_reduction <add>, %square3A_94, %reduce_sum3A_98 [1] : vector<1024x768xf32> to vector<1024xf32>
    %broadcast_in_dim3A_100 = vector.shape_cast %reduce_sum3A_99 : vector<1024xf32> to vector<1024x1xf32>
    %div3A_101 = vector.broadcast %sub3A_97 : f32 to vector<1024x1xf32>
    %div3A_102 = arith.divf %broadcast_in_dim3A_100, %div3A_101 : vector<1024x1xf32>
    %gt3A_103 = arith.constant 0.000000e+00 : f32
    %gt3A_104 = arith.cmpf ogt, %sub3A_97, %gt3A_103 : f32
    %jit3A_105 = arith.constant 0x7FC00000 : f32
    %broadcast_in_dim3A_106 = vector.broadcast %jit3A_105 : f32 to vector<1024x1xf32>
    %select_n3A_107 = arith.select %gt3A_104, %div3A_102, %broadcast_in_dim3A_106 : vector<1024x1xf32>
    %sub3A_108 = vector.broadcast %div3A_84 : vector<1024x1xf32> to vector<1024x768xf32>
    %sub3A_109 = arith.subf %get3A_4, %sub3A_108 : vector<1024x768xf32>
    %add3A_110 = arith.constant 9.99999974E-6 : f32
    %add3A_111 = vector.broadcast %add3A_110 : f32 to vector<1024x1xf32>
    %add3A_112 = arith.addf %select_n3A_107, %add3A_111 : vector<1024x1xf32>
    %sqrt3A_113 = math.sqrt %add3A_112 : vector<1024x1xf32>
    %div3A_114 = vector.broadcast %sqrt3A_113 : vector<1024x1xf32> to vector<1024x768xf32>
    %div3A_115 = arith.divf %sub3A_109, %div3A_114 : vector<1024x768xf32>
    %mul3A_116 = vector.broadcast %get3A_75 : vector<1x768xf32> to vector<1024x768xf32>
    %mul3A_117 = arith.mulf %div3A_115, %mul3A_116 : vector<1024x768xf32>
    %add3A_118 = vector.broadcast %get3A_78 : vector<1x768xf32> to vector<1024x768xf32>
    %add3A_119 = arith.addf %mul3A_117, %add3A_118 : vector<1024x768xf32>
    %get3A_120 = arith.constant 0 : index
    %get3A_121 = arith.constant 0 : index
    %get3A_122 = vector.load %arg10[%get3A_120, %get3A_121] : memref<768x768xf32, #tpu.memory_space<vmem>>, vector<768x768xf32>
    %convert_element_type3A_123 = arith.truncf %add3A_119 : vector<1024x768xf32> to vector<1024x768xbf16>
    %convert_element_type3A_124 = arith.truncf %get3A_122 : vector<768x768xf32> to vector<768x768xbf16>
    %dot_general3A_125 = arith.constant dense<0.000000e+00> : vector<1024x768xf32>
    %dot_general3A_126 = tpu.matmul %convert_element_type3A_123, %convert_element_type3A_124, %dot_general3A_125 {dimension_numbers = #tpu.dot_dimension_numbers<[1], [0], [0], [1], [0, 0, 1, 1], [], []>, transpose_lhs_hint = false} : vector<1024x768xbf16>, vector<768x768xbf16>, vector<1024x768xf32> -> vector<1024x768xf32>
    %get3A_127 = arith.constant 0 : index
    %get3A_128 = arith.constant 0 : index
    %get3A_129 = vector.load %arg11[%get3A_127, %get3A_128] : memref<1x768xf32, #tpu.memory_space<vmem>>, vector<1x768xf32>
    %add3A_130 = vector.broadcast %get3A_129 : vector<1x768xf32> to vector<1024x768xf32>
    %add3A_131 = arith.addf %dot_general3A_126, %add3A_130 : vector<1024x768xf32>
    %integer_pow3A_132 = arith.mulf %add3A_131, %add3A_131 : vector<1024x768xf32>
    %integer_pow3A_133 = arith.mulf %add3A_131, %integer_pow3A_132 : vector<1024x768xf32>
    %mul3A_134 = arith.constant 4.471500e-02 : f32
    %mul3A_135 = vector.broadcast %mul3A_134 : f32 to vector<1024x768xf32>
    %mul3A_136 = arith.mulf %mul3A_135, %integer_pow3A_133 : vector<1024x768xf32>
    %add3A_137 = arith.addf %add3A_131, %mul3A_136 : vector<1024x768xf32>
    %mul3A_138 = arith.constant 0.797884583 : f32
    %mul3A_139 = vector.broadcast %mul3A_138 : f32 to vector<1024x768xf32>
    %mul3A_140 = arith.mulf %mul3A_139, %add3A_137 : vector<1024x768xf32>
    %tanh3A_141 = math.tanh %mul3A_140 : vector<1024x768xf32>
    %add3A_142 = arith.constant 1.000000e+00 : f32
    %add3A_143 = vector.broadcast %add3A_142 : f32 to vector<1024x768xf32>
    %add3A_144 = arith.addf %add3A_143, %tanh3A_141 : vector<1024x768xf32>
    %mul3A_145 = arith.constant 5.000000e-01 : f32
    %mul3A_146 = vector.broadcast %mul3A_145 : f32 to vector<1024x768xf32>
    %mul3A_147 = arith.mulf %mul3A_146, %add3A_144 : vector<1024x768xf32>
    %mul3A_148 = arith.mulf %add3A_131, %mul3A_147 : vector<1024x768xf32>
    %add3A_149 = arith.addf %get3A_4, %mul3A_148 : vector<1024x768xf32>
    %get3A_150 = arith.constant 0 : index
    %get3A_151 = arith.constant 0 : index
    %get3A_152 = vector.load %arg2[%get3A_150, %get3A_151] : memref<1024x768xf32, #tpu.memory_space<vmem>>, vector<1024x768xf32>
    %mul3A_153 = vector.broadcast %get3A_7 : vector<1024x1xf32> to vector<1024x768xf32>
    %mul3A_154 = arith.mulf %mul3A_153, %add3A_72 : vector<1024x768xf32>
    %add3A_155 = arith.addf %get3A_152, %mul3A_154 : vector<1024x768xf32>
    %mul3A_156 = vector.broadcast %get3A_10 : vector<1024x1xf32> to vector<1024x768xf32>
    %mul3A_157 = arith.mulf %mul3A_156, %add3A_149 : vector<1024x768xf32>
    %add3A_158 = arith.addf %add3A_155, %mul3A_157 : vector<1024x768xf32>
    %swap3A = arith.constant 0 : index
    %swap3A_159 = arith.constant 0 : index
    %swap3A_160 = vector.load %arg16[%swap3A, %swap3A_159] : memref<1024x768xf32, #tpu.memory_space<vmem>>, vector<1024x768xf32>
    tpu.vector_store %arg16[%swap3A, %swap3A_159], %add3A_158 {strides = array<i32>} : memref<1024x768xf32, #tpu.memory_space<vmem>>, vector<1024x768xf32>,
    %get3A_161 = arith.constant 0 : index
    %get3A_162 = arith.constant 0 : index
    %get3A_163 = vector.load %arg12[%get3A_161, %get3A_162] : memref<768x3xf32, #tpu.memory_space<vmem>>, vector<768x3xf32>
    %convert_element_type3A_164 = arith.truncf %get3A_1 : vector<1024x768xf32> to vector<1024x768xbf16>
    %convert_element_type3A_165 = arith.truncf %get3A_163 : vector<768x3xf32> to vector<768x3xbf16>
    %dot_general3A_166 = arith.constant dense<0.000000e+00> : vector<1024x3xf32>
    %dot_general3A_167 = tpu.matmul %convert_element_type3A_164, %convert_element_type3A_165, %dot_general3A_166 {dimension_numbers = #tpu.dot_dimension_numbers<[1], [0], [0], [1], [0, 0, 1, 1], [], []>, transpose_lhs_hint = false} : vector<1024x768xbf16>, vector<768x3xbf16>, vector<1024x3xf32> -> vector<1024x3xf32>
    %get3A_168 = arith.constant 0 : index
    %get3A_169 = arith.constant 0 : index
    %get3A_170 = vector.load %arg13[%get3A_168, %get3A_169] : memref<1x3xf32, #tpu.memory_space<vmem>>, vector<1x3xf32>
    %add3A_171 = vector.broadcast %get3A_170 : vector<1x3xf32> to vector<1024x3xf32>
    %add3A_172 = arith.addf %dot_general3A_167, %add3A_171 : vector<1024x3xf32>
    %get3A_173 = arith.constant 0 : index
    %get3A_174 = arith.constant 0 : index
    %get3A_175 = vector.load %arg14[%get3A_173, %get3A_174] : memref<768x3xf32, #tpu.memory_space<vmem>>, vector<768x3xf32>
    %convert_element_type3A_176 = arith.truncf %get3A_4 : vector<1024x768xf32> to vector<1024x768xbf16>
    %convert_element_type3A_177 = arith.truncf %get3A_175 : vector<768x3xf32> to vector<768x3xbf16>
    %dot_general3A_178 = arith.constant dense<0.000000e+00> : vector<1024x3xf32>
    %dot_general3A_179 = tpu.matmul %convert_element_type3A_176, %convert_element_type3A_177, %dot_general3A_178 {dimension_numbers = #tpu.dot_dimension_numbers<[1], [0], [0], [1], [0, 0, 1, 1], [], []>, transpose_lhs_hint = false} : vector<1024x768xbf16>, vector<768x3xbf16>, vector<1024x3xf32> -> vector<1024x3xf32>
    %get3A_180 = arith.constant 0 : index
    %get3A_181 = arith.constant 0 : index
    %get3A_182 = vector.load %arg15[%get3A_180, %get3A_181] : memref<1x3xf32, #tpu.memory_space<vmem>>, vector<1x3xf32>
    %add3A_183 = vector.broadcast %get3A_182 : vector<1x3xf32> to vector<1024x3xf32>
    %add3A_184 = arith.addf %dot_general3A_179, %add3A_183 : vector<1024x3xf32>
    %mul3A_185 = vector.broadcast %get3A_7 : vector<1024x1xf32> to vector<1024x3xf32>
    %mul3A_186 = arith.mulf %mul3A_185, %add3A_172 : vector<1024x3xf32>
    %mul3A_187 = vector.broadcast %get3A_10 : vector<1024x1xf32> to vector<1024x3xf32>
    %mul3A_188 = arith.mulf %mul3A_187, %add3A_184 : vector<1024x3xf32>
    %add3A_189 = arith.addf %mul3A_186, %mul3A_188 : vector<1024x3xf32>
    %swap3A_190 = arith.constant 0 : index
    %swap3A_191 = arith.constant 0 : index
    %swap3A_192 = vector.load %arg17[%swap3A_190, %swap3A_191] : memref<1024x3xf32, #tpu.memory_space<vmem>>, vector<1024x3xf32>
    tpu.vector_store %arg17[%swap3A_190, %swap3A_191], %add3A_189 {strides = array<i32>} : memref<1024x3xf32, #tpu.memory_space<vmem>>, vector<1024x3xf32>,
    return
  }
}

module attributes {stable_mosaic.version = 14 : i64} {
  func.func @_moe_kernel(%arg0: i32, %arg1: memref<1024x768xf32, #tpu.memory_space<vmem>>, %arg2: memref<768x8xf32, #tpu.memory_space<vmem>>, %arg3: memref<1x768x1536xf32, #tpu.memory_space<vmem>>, %arg4: memref<1x1x1536xf32, #tpu.memory_space<vmem>>, %arg5: memref<1x1536x768xf32, #tpu.memory_space<vmem>>, %arg6: memref<1x1x768xf32, #tpu.memory_space<vmem>>, %arg7: memref<1024x768xf32, #tpu.memory_space<vmem>>, %arg8: memref<1x1xf32, #tpu.memory_space<vmem>>, %arg9: memref<1024x8xf32, #tpu.memory_space<vmem>>) attributes {dimension_semantics = [#tpu.dimension_semantics<arbitrary>], iteration_bounds = array<i64: 8>, scalar_prefetch = 0 : i64, scratch_operands = 1 : i64, tpu.core_type = #tpu.core_type<tc>, window_params = [{pipeline_mode = #tpu.pipeline_mode<synchronous>, transform_indices = @transform_0, window_bounds = array<i64: 1024, 768>}, {pipeline_mode = #tpu.pipeline_mode<synchronous>, transform_indices = @transform_1, window_bounds = array<i64: 768, 8>}, {transform_indices = @transform_2, window_bounds = array<i64: 1, 768, 1536>}, {transform_indices = @transform_3, window_bounds = array<i64: 1, 1, 1536>}, {transform_indices = @transform_4, window_bounds = array<i64: 1, 1536, 768>}, {transform_indices = @transform_5, window_bounds = array<i64: 1, 1, 768>}, {pipeline_mode = #tpu.pipeline_mode<synchronous>, transform_indices = @transform_6, window_bounds = array<i64: 1024, 768>}, {pipeline_mode = #tpu.pipeline_mode<synchronous>, transform_indices = @transform_7, window_bounds = array<i64: 1, 1>}]} {
    %get3A = arith.constant 0 : index
    %get3A_0 = arith.constant 0 : index
    %get3A_1 = vector.load %arg1[%get3A, %get3A_0] : memref<1024x768xf32, #tpu.memory_space<vmem>>, vector<1024x768xf32>
    %eq3A = arith.constant 0 : i32
    %eq3A_2 = arith.cmpi eq, %arg0, %eq3A : i32
    %convert_element_type3A = arith.extui %eq3A_2 : i1 to i32
    %cond3A = arith.constant 0 : i32
    %cond3A_3 = arith.cmpi ne, %convert_element_type3A, %cond3A : i32
    scf.if %cond3A_3 {
      %get3A_118 = arith.constant 0 : index
      %get3A_119 = arith.constant 0 : index
      %get3A_120 = vector.load %arg2[%get3A_118, %get3A_119] : memref<768x8xf32, #tpu.memory_space<vmem>>, vector<768x8xf32>
      %convert_element_type3A_121 = arith.truncf %get3A_1 : vector<1024x768xf32> to vector<1024x768xbf16>
      %convert_element_type3A_122 = arith.truncf %get3A_120 : vector<768x8xf32> to vector<768x8xbf16>
      %dot_general3A_123 = arith.constant dense<0.000000e+00> : vector<1024x8xf32>
      %dot_general3A_124 = tpu.matmul %convert_element_type3A_121, %convert_element_type3A_122, %dot_general3A_123 {dimension_numbers = #tpu.dot_dimension_numbers<[1], [0], [0], [1], [0, 0, 1, 1], [], []>, transpose_lhs_hint = false} : vector<1024x768xbf16>, vector<768x8xbf16>, vector<1024x8xf32> -> vector<1024x8xf32>
      %reduce_max3A = arith.constant dense<0xFF800000> : vector<1024xf32>
      %reduce_max3A_125 = vector.multi_reduction <maximumf>, %dot_general3A_124, %reduce_max3A [1] : vector<1024x8xf32> to vector<1024xf32>
      %max3A = arith.constant 0xFF800000 : f32
      %max3A_126 = vector.broadcast %max3A : f32 to vector<1024xf32>
      %max3A_127 = arith.maximumf %max3A_126, %reduce_max3A_125 : vector<1024xf32>
      %broadcast_in_dim3A_128 = vector.shape_cast %max3A_127 : vector<1024xf32> to vector<1024x1xf32>
      %sub3A = vector.broadcast %broadcast_in_dim3A_128 : vector<1024x1xf32> to vector<1024x8xf32>
      %sub3A_129 = arith.subf %dot_general3A_124, %sub3A : vector<1024x8xf32>
      %exp3A = math.exp %sub3A_129 : vector<1024x8xf32>
      %reduce_sum3A_130 = arith.constant dense<0.000000e+00> : vector<1024xf32>
      %reduce_sum3A_131 = vector.multi_reduction <add>, %exp3A, %reduce_sum3A_130 [1] : vector<1024x8xf32> to vector<1024xf32>
      %broadcast_in_dim3A_132 = vector.shape_cast %reduce_sum3A_131 : vector<1024xf32> to vector<1024x1xf32>
      %div3A = vector.broadcast %broadcast_in_dim3A_132 : vector<1024x1xf32> to vector<1024x8xf32>
      %div3A_133 = arith.divf %exp3A, %div3A : vector<1024x8xf32>
      %iota3A_134 = tpu.iota {dimensions = array<i32: 1>} : vector<1024x8xi32>
      %reduce_max3A_135 = arith.constant dense<0xFF800000> : vector<1024xf32>
      %reduce_max3A_136 = vector.multi_reduction <maximumf>, %div3A_133, %reduce_max3A_135 [1] : vector<1024x8xf32> to vector<1024xf32>
      %broadcast_in_dim3A_137 = vector.shape_cast %reduce_max3A_136 : vector<1024xf32> to vector<1024x1xf32>
      %eq3A_138 = vector.broadcast %broadcast_in_dim3A_137 : vector<1024x1xf32> to vector<1024x8xf32>
      %eq3A_139 = arith.cmpf oeq, %div3A_133, %eq3A_138 : vector<1024x8xf32>
      %jit3A = arith.constant 8 : i32
      %broadcast_in_dim3A_140 = vector.broadcast %jit3A : i32 to vector<1024x8xi32>
      %select_n3A = arith.select %eq3A_139, %iota3A_134, %broadcast_in_dim3A_140 : vector<1024x8xi1>, vector<1024x8xi32>
      %reduce_min3A = arith.constant dense<2147483647> : vector<1024xi32>
      %reduce_min3A_141 = vector.multi_reduction <minsi>, %select_n3A, %reduce_min3A [1] : vector<1024x8xi32> to vector<1024xi32>
      %broadcast_in_dim3A_142 = vector.shape_cast %reduce_min3A_141 : vector<1024xi32> to vector<1024x1xi32>
      %eq3A_143 = vector.broadcast %broadcast_in_dim3A_142 : vector<1024x1xi32> to vector<1024x8xi32>
      %eq3A_144 = arith.cmpi eq, %iota3A_134, %eq3A_143 : vector<1024x8xi32>
      %jit3A_145 = arith.constant 0xFF800000 : f32
      %broadcast_in_dim3A_146 = vector.broadcast %jit3A_145 : f32 to vector<1024x8xf32>
      %select_n3A_147 = arith.select %eq3A_144, %broadcast_in_dim3A_146, %div3A_133 : vector<1024x8xi1>, vector<1024x8xf32>
      %reduce_max3A_148 = arith.constant dense<0xFF800000> : vector<1024xf32>
      %reduce_max3A_149 = vector.multi_reduction <maximumf>, %select_n3A_147, %reduce_max3A_148 [1] : vector<1024x8xf32> to vector<1024xf32>
      %broadcast_in_dim3A_150 = vector.shape_cast %reduce_max3A_149 : vector<1024xf32> to vector<1024x1xf32>
      %eq3A_151 = vector.broadcast %broadcast_in_dim3A_150 : vector<1024x1xf32> to vector<1024x8xf32>
      %eq3A_152 = arith.cmpf oeq, %select_n3A_147, %eq3A_151 : vector<1024x8xf32>
      %jit3A_153 = arith.constant 8 : i32
      %broadcast_in_dim3A_154 = vector.broadcast %jit3A_153 : i32 to vector<1024x8xi32>
      %select_n3A_155 = arith.select %eq3A_152, %iota3A_134, %broadcast_in_dim3A_154 : vector<1024x8xi1>, vector<1024x8xi32>
      %reduce_min3A_156 = arith.constant dense<2147483647> : vector<1024xi32>
      %reduce_min3A_157 = vector.multi_reduction <minsi>, %select_n3A_155, %reduce_min3A_156 [1] : vector<1024x8xi32> to vector<1024xi32>
      %broadcast_in_dim3A_158 = vector.shape_cast %reduce_min3A_157 : vector<1024xi32> to vector<1024x1xi32>
      %eq3A_159 = vector.broadcast %broadcast_in_dim3A_158 : vector<1024x1xi32> to vector<1024x8xi32>
      %eq3A_160 = arith.cmpi eq, %iota3A_134, %eq3A_159 : vector<1024x8xi32>
      %or3A = arith.ori %eq3A_144, %eq3A_160 : vector<1024x8xi1>
      %convert_element_type3A_161 = arith.extui %or3A : vector<1024x8xi1> to vector<1024x8xi32>
      %convert_element_type3A_162 = arith.sitofp %convert_element_type3A_161 : vector<1024x8xi32> to vector<1024x8xf32>
      %mul3A_163 = arith.mulf %div3A_133, %convert_element_type3A_162 : vector<1024x8xf32>
      %swap3A = arith.constant 0 : index
      %swap3A_164 = arith.constant 0 : index
      %swap3A_165 = vector.load %arg9[%swap3A, %swap3A_164] : memref<1024x8xf32, #tpu.memory_space<vmem>>, vector<1024x8xf32>
      tpu.vector_store %arg9[%swap3A, %swap3A_164], %mul3A_163 {strides = array<i32>} : memref<1024x8xf32, #tpu.memory_space<vmem>>, vector<1024x8xf32>,
      %reduce_sum3A_166 = arith.constant dense<0.000000e+00> : vector<8xf32>
      %reduce_sum3A_167 = vector.multi_reduction <add>, %div3A_133, %reduce_sum3A_166 [0] : vector<1024x8xf32> to vector<8xf32>
      %broadcast_in_dim3A_168 = vector.shape_cast %reduce_sum3A_167 : vector<8xf32> to vector<1x8xf32>
      %div3A_169 = arith.constant 1.024000e+03 : f32
      %div3A_170 = vector.broadcast %div3A_169 : f32 to vector<1x8xf32>
      %div3A_171 = arith.divf %broadcast_in_dim3A_168, %div3A_170 : vector<1x8xf32>
      %reduce_sum3A_172 = arith.constant dense<0.000000e+00> : vector<8xf32>
      %reduce_sum3A_173 = vector.multi_reduction <add>, %convert_element_type3A_162, %reduce_sum3A_172 [0] : vector<1024x8xf32> to vector<8xf32>
      %broadcast_in_dim3A_174 = vector.shape_cast %reduce_sum3A_173 : vector<8xf32> to vector<1x8xf32>
      %div3A_175 = arith.constant 1.024000e+03 : f32
      %div3A_176 = vector.broadcast %div3A_175 : f32 to vector<1x8xf32>
      %div3A_177 = arith.divf %broadcast_in_dim3A_174, %div3A_176 : vector<1x8xf32>
      %mul3A_178 = arith.mulf %div3A_171, %div3A_177 : vector<1x8xf32>
      %reduce_sum3A_179 = vector.shape_cast %mul3A_178 : vector<1x8xf32> to vector<1x1x8xf32>
      %reduce_sum3A_180 = arith.constant dense<0.000000e+00> : vector<1xf32>
      %reduce_sum3A_181 = vector.multi_reduction <add>, %reduce_sum3A_179, %reduce_sum3A_180 [1, 2] : vector<1x1x8xf32> to vector<1xf32>
      %reduce_sum3A_182 = vector.shape_cast %reduce_sum3A_181 : vector<1xf32> to vector<1x1x1xf32>
      %reduce_sum3A_183 = vector.extract %reduce_sum3A_182[0, 0, 0] : f32 from vector<1x1x1xf32>
      %mul3A_184 = arith.constant 8.000000e+00 : f32
      %mul3A_185 = arith.mulf %reduce_sum3A_183, %mul3A_184 : f32
      %reshape3A = vector.broadcast %mul3A_185 : f32 to vector<1x1xf32>
      %swap3A_186 = arith.constant 0 : index
      %swap3A_187 = arith.constant 0 : index
      %swap3A_188 = vector.load %arg8[%swap3A_186, %swap3A_187] : memref<1x1xf32, #tpu.memory_space<vmem>>, vector<1x1xf32>
      tpu.vector_store %arg8[%swap3A_186, %swap3A_187], %reshape3A {strides = array<i32>} : memref<1x1xf32, #tpu.memory_space<vmem>>, vector<1x1xf32>,
    } else {
    }
    %get3A_4 = arith.constant 0 : index
    %get3A_5 = arith.constant 0 : index
    %get3A_6 = vector.load %arg9[%get3A_4, %get3A_5] : memref<1024x8xf32, #tpu.memory_space<vmem>>, vector<1024x8xf32>
    %iota3A = tpu.iota {dimensions = array<i32: 1>} : vector<1024x8xi32>
    %eq3A_7 = vector.broadcast %arg0 : i32 to vector<1024x8xi32>
    %eq3A_8 = arith.cmpi eq, %iota3A, %eq3A_7 : vector<1024x8xi32>
    %convert_element_type3A_9 = arith.extui %eq3A_8 : vector<1024x8xi1> to vector<1024x8xi32>
    %convert_element_type3A_10 = arith.sitofp %convert_element_type3A_9 : vector<1024x8xi32> to vector<1024x8xf32>
    %mul3A = arith.mulf %get3A_6, %convert_element_type3A_10 : vector<1024x8xf32>
    %reduce_sum3A = arith.constant dense<0.000000e+00> : vector<1024xf32>
    %reduce_sum3A_11 = vector.multi_reduction <add>, %mul3A, %reduce_sum3A [1] : vector<1024x8xf32> to vector<1024xf32>
    %broadcast_in_dim3A = vector.shape_cast %reduce_sum3A_11 : vector<1024xf32> to vector<1024x1xf32>
    %slice3A = vector.extract_strided_slice %get3A_1 {offsets = [0, 0], sizes = [512, 768], strides = [1, 1]} : vector<1024x768xf32> to vector<512x768xf32>
    %get3A_12 = arith.constant 0 : index
    %get3A_13 = arith.constant 0 : index
    %get3A_14 = arith.constant 0 : index
    %get3A_15 = vector.load %arg3[%get3A_12, %get3A_13, %get3A_14] : memref<1x768x1536xf32, #tpu.memory_space<vmem>>, vector<1x768x1536xf32>
    %get3A_16 = vector.shape_cast %get3A_15 : vector<1x768x1536xf32> to vector<768x1536xf32>
    %convert_element_type3A_17 = arith.truncf %slice3A : vector<512x768xf32> to vector<512x768xbf16>
    %convert_element_type3A_18 = arith.truncf %get3A_16 : vector<768x1536xf32> to vector<768x1536xbf16>
    %dot_general3A = arith.constant dense<0.000000e+00> : vector<512x1536xf32>
    %dot_general3A_19 = tpu.matmul %convert_element_type3A_17, %convert_element_type3A_18, %dot_general3A {dimension_numbers = #tpu.dot_dimension_numbers<[1], [0], [0], [1], [0, 0, 1, 1], [], []>, transpose_lhs_hint = false} : vector<512x768xbf16>, vector<768x1536xbf16>, vector<512x1536xf32> -> vector<512x1536xf32>
    %get3A_20 = arith.constant 0 : index
    %get3A_21 = arith.constant 0 : index
    %get3A_22 = arith.constant 0 : index
    %get3A_23 = vector.load %arg4[%get3A_20, %get3A_21, %get3A_22] : memref<1x1x1536xf32, #tpu.memory_space<vmem>>, vector<1x1x1536xf32>
    %get3A_24 = vector.shape_cast %get3A_23 : vector<1x1x1536xf32> to vector<1x1536xf32>
    %add3A = vector.broadcast %get3A_24 : vector<1x1536xf32> to vector<512x1536xf32>
    %add3A_25 = arith.addf %dot_general3A_19, %add3A : vector<512x1536xf32>
    %integer_pow3A = arith.mulf %add3A_25, %add3A_25 : vector<512x1536xf32>
    %integer_pow3A_26 = arith.mulf %add3A_25, %integer_pow3A : vector<512x1536xf32>
    %mul3A_27 = arith.constant 4.471500e-02 : f32
    %mul3A_28 = vector.broadcast %mul3A_27 : f32 to vector<512x1536xf32>
    %mul3A_29 = arith.mulf %mul3A_28, %integer_pow3A_26 : vector<512x1536xf32>
    %add3A_30 = arith.addf %add3A_25, %mul3A_29 : vector<512x1536xf32>
    %mul3A_31 = arith.constant 0.797884583 : f32
    %mul3A_32 = vector.broadcast %mul3A_31 : f32 to vector<512x1536xf32>
    %mul3A_33 = arith.mulf %mul3A_32, %add3A_30 : vector<512x1536xf32>
    %tanh3A = math.tanh %mul3A_33 : vector<512x1536xf32>
    %add3A_34 = arith.constant 1.000000e+00 : f32
    %add3A_35 = vector.broadcast %add3A_34 : f32 to vector<512x1536xf32>
    %add3A_36 = arith.addf %add3A_35, %tanh3A : vector<512x1536xf32>
    %mul3A_37 = arith.constant 5.000000e-01 : f32
    %mul3A_38 = vector.broadcast %mul3A_37 : f32 to vector<512x1536xf32>
    %mul3A_39 = arith.mulf %mul3A_38, %add3A_36 : vector<512x1536xf32>
    %mul3A_40 = arith.mulf %add3A_25, %mul3A_39 : vector<512x1536xf32>
    %get3A_41 = arith.constant 0 : index
    %get3A_42 = arith.constant 0 : index
    %get3A_43 = arith.constant 0 : index
    %get3A_44 = vector.load %arg5[%get3A_41, %get3A_42, %get3A_43] : memref<1x1536x768xf32, #tpu.memory_space<vmem>>, vector<1x1536x768xf32>
    %get3A_45 = vector.shape_cast %get3A_44 : vector<1x1536x768xf32> to vector<1536x768xf32>
    %convert_element_type3A_46 = arith.truncf %mul3A_40 : vector<512x1536xf32> to vector<512x1536xbf16>
    %convert_element_type3A_47 = arith.truncf %get3A_45 : vector<1536x768xf32> to vector<1536x768xbf16>
    %dot_general3A_48 = arith.constant dense<0.000000e+00> : vector<512x768xf32>
    %dot_general3A_49 = tpu.matmul %convert_element_type3A_46, %convert_element_type3A_47, %dot_general3A_48 {dimension_numbers = #tpu.dot_dimension_numbers<[1], [0], [0], [1], [0, 0, 1, 1], [], []>, transpose_lhs_hint = false} : vector<512x1536xbf16>, vector<1536x768xbf16>, vector<512x768xf32> -> vector<512x768xf32>
    %get3A_50 = arith.constant 0 : index
    %get3A_51 = arith.constant 0 : index
    %get3A_52 = arith.constant 0 : index
    %get3A_53 = vector.load %arg6[%get3A_50, %get3A_51, %get3A_52] : memref<1x1x768xf32, #tpu.memory_space<vmem>>, vector<1x1x768xf32>
    %get3A_54 = vector.shape_cast %get3A_53 : vector<1x1x768xf32> to vector<1x768xf32>
    %add3A_55 = vector.broadcast %get3A_54 : vector<1x768xf32> to vector<512x768xf32>
    %add3A_56 = arith.addf %dot_general3A_49, %add3A_55 : vector<512x768xf32>
    %slice3A_57 = vector.extract_strided_slice %get3A_1 {offsets = [512, 0], sizes = [512, 768], strides = [1, 1]} : vector<1024x768xf32> to vector<512x768xf32>
    %get3A_58 = arith.constant 0 : index
    %get3A_59 = arith.constant 0 : index
    %get3A_60 = arith.constant 0 : index
    %get3A_61 = vector.load %arg3[%get3A_58, %get3A_59, %get3A_60] : memref<1x768x1536xf32, #tpu.memory_space<vmem>>, vector<1x768x1536xf32>
    %get3A_62 = vector.shape_cast %get3A_61 : vector<1x768x1536xf32> to vector<768x1536xf32>
    %convert_element_type3A_63 = arith.truncf %slice3A_57 : vector<512x768xf32> to vector<512x768xbf16>
    %convert_element_type3A_64 = arith.truncf %get3A_62 : vector<768x1536xf32> to vector<768x1536xbf16>
    %dot_general3A_65 = arith.constant dense<0.000000e+00> : vector<512x1536xf32>
    %dot_general3A_66 = tpu.matmul %convert_element_type3A_63, %convert_element_type3A_64, %dot_general3A_65 {dimension_numbers = #tpu.dot_dimension_numbers<[1], [0], [0], [1], [0, 0, 1, 1], [], []>, transpose_lhs_hint = false} : vector<512x768xbf16>, vector<768x1536xbf16>, vector<512x1536xf32> -> vector<512x1536xf32>
    %get3A_67 = arith.constant 0 : index
    %get3A_68 = arith.constant 0 : index
    %get3A_69 = arith.constant 0 : index
    %get3A_70 = vector.load %arg4[%get3A_67, %get3A_68, %get3A_69] : memref<1x1x1536xf32, #tpu.memory_space<vmem>>, vector<1x1x1536xf32>
    %get3A_71 = vector.shape_cast %get3A_70 : vector<1x1x1536xf32> to vector<1x1536xf32>
    %add3A_72 = vector.broadcast %get3A_71 : vector<1x1536xf32> to vector<512x1536xf32>
    %add3A_73 = arith.addf %dot_general3A_66, %add3A_72 : vector<512x1536xf32>
    %integer_pow3A_74 = arith.mulf %add3A_73, %add3A_73 : vector<512x1536xf32>
    %integer_pow3A_75 = arith.mulf %add3A_73, %integer_pow3A_74 : vector<512x1536xf32>
    %mul3A_76 = arith.constant 4.471500e-02 : f32
    %mul3A_77 = vector.broadcast %mul3A_76 : f32 to vector<512x1536xf32>
    %mul3A_78 = arith.mulf %mul3A_77, %integer_pow3A_75 : vector<512x1536xf32>
    %add3A_79 = arith.addf %add3A_73, %mul3A_78 : vector<512x1536xf32>
    %mul3A_80 = arith.constant 0.797884583 : f32
    %mul3A_81 = vector.broadcast %mul3A_80 : f32 to vector<512x1536xf32>
    %mul3A_82 = arith.mulf %mul3A_81, %add3A_79 : vector<512x1536xf32>
    %tanh3A_83 = math.tanh %mul3A_82 : vector<512x1536xf32>
    %add3A_84 = arith.constant 1.000000e+00 : f32
    %add3A_85 = vector.broadcast %add3A_84 : f32 to vector<512x1536xf32>
    %add3A_86 = arith.addf %add3A_85, %tanh3A_83 : vector<512x1536xf32>
    %mul3A_87 = arith.constant 5.000000e-01 : f32
    %mul3A_88 = vector.broadcast %mul3A_87 : f32 to vector<512x1536xf32>
    %mul3A_89 = arith.mulf %mul3A_88, %add3A_86 : vector<512x1536xf32>
    %mul3A_90 = arith.mulf %add3A_73, %mul3A_89 : vector<512x1536xf32>
    %get3A_91 = arith.constant 0 : index
    %get3A_92 = arith.constant 0 : index
    %get3A_93 = arith.constant 0 : index
    %get3A_94 = vector.load %arg5[%get3A_91, %get3A_92, %get3A_93] : memref<1x1536x768xf32, #tpu.memory_space<vmem>>, vector<1x1536x768xf32>
    %get3A_95 = vector.shape_cast %get3A_94 : vector<1x1536x768xf32> to vector<1536x768xf32>
    %convert_element_type3A_96 = arith.truncf %mul3A_90 : vector<512x1536xf32> to vector<512x1536xbf16>
    %convert_element_type3A_97 = arith.truncf %get3A_95 : vector<1536x768xf32> to vector<1536x768xbf16>
    %dot_general3A_98 = arith.constant dense<0.000000e+00> : vector<512x768xf32>
    %dot_general3A_99 = tpu.matmul %convert_element_type3A_96, %convert_element_type3A_97, %dot_general3A_98 {dimension_numbers = #tpu.dot_dimension_numbers<[1], [0], [0], [1], [0, 0, 1, 1], [], []>, transpose_lhs_hint = false} : vector<512x1536xbf16>, vector<1536x768xbf16>, vector<512x768xf32> -> vector<512x768xf32>
    %get3A_100 = arith.constant 0 : index
    %get3A_101 = arith.constant 0 : index
    %get3A_102 = arith.constant 0 : index
    %get3A_103 = vector.load %arg6[%get3A_100, %get3A_101, %get3A_102] : memref<1x1x768xf32, #tpu.memory_space<vmem>>, vector<1x1x768xf32>
    %get3A_104 = vector.shape_cast %get3A_103 : vector<1x1x768xf32> to vector<1x768xf32>
    %add3A_105 = vector.broadcast %get3A_104 : vector<1x768xf32> to vector<512x768xf32>
    %add3A_106 = arith.addf %dot_general3A_99, %add3A_105 : vector<512x768xf32>
    %concatenate3A = tpu.concatenate %add3A_56, %add3A_106 in 0 : vector<512x768xf32>, vector<512x768xf32> -> vector<1024x768xf32>
    %mul3A_107 = vector.broadcast %broadcast_in_dim3A : vector<1024x1xf32> to vector<1024x768xf32>
    %mul3A_108 = arith.mulf %mul3A_107, %concatenate3A : vector<1024x768xf32>
    %eq3A_109 = arith.constant 0 : i32
    %eq3A_110 = arith.cmpi eq, %arg0, %eq3A_109 : i32
    %convert_element_type3A_111 = arith.extui %eq3A_110 : i1 to i32
    %cond3A_112 = arith.constant 0 : i32
    %cond3A_113 = arith.cmpi ne, %convert_element_type3A_111, %cond3A_112 : i32
    scf.if %cond3A_113 {
      %swap3A = arith.constant 0 : index
      %swap3A_118 = arith.constant 0 : index
      %swap3A_119 = vector.load %arg7[%swap3A, %swap3A_118] : memref<1024x768xf32, #tpu.memory_space<vmem>>, vector<1024x768xf32>
      tpu.vector_store %arg7[%swap3A, %swap3A_118], %mul3A_108 {strides = array<i32>} : memref<1024x768xf32, #tpu.memory_space<vmem>>, vector<1024x768xf32>,
    } else {
    }
    %gt3A = arith.constant 0 : i32
    %gt3A_114 = arith.cmpi sgt, %arg0, %gt3A : i32
    %convert_element_type3A_115 = arith.extui %gt3A_114 : i1 to i32
    %cond3A_116 = arith.constant 0 : i32
    %cond3A_117 = arith.cmpi ne, %convert_element_type3A_115, %cond3A_116 : i32
    scf.if %cond3A_117 {
      %get3A_118 = arith.constant 0 : index
      %get3A_119 = arith.constant 0 : index
      %get3A_120 = vector.load %arg7[%get3A_118, %get3A_119] : memref<1024x768xf32, #tpu.memory_space<vmem>>, vector<1024x768xf32>
      %add3A_121 = arith.addf %get3A_120, %mul3A_108 : vector<1024x768xf32>
      %swap3A = arith.constant 0 : index
      %swap3A_122 = arith.constant 0 : index
      %swap3A_123 = vector.load %arg7[%swap3A, %swap3A_122] : memref<1024x768xf32, #tpu.memory_space<vmem>>, vector<1024x768xf32>
      tpu.vector_store %arg7[%swap3A, %swap3A_122], %add3A_121 {strides = array<i32>} : memref<1024x768xf32, #tpu.memory_space<vmem>>, vector<1024x768xf32>,
    } else {
    }
    return
  }
  func.func @transform_0(%arg0: i32) -> (i32, i32) {
    %c0_i32 = arith.constant 0 : i32
    %c0_i32_0 = arith.constant 0 : i32
    %c0_i32_1 = arith.constant 0 : i32
    return %c0_i32, %c0_i32_0 : i32, i32
  }
  func.func @transform_1(%arg0: i32) -> (i32, i32) {
    %c0_i32 = arith.constant 0 : i32
    %c0_i32_0 = arith.constant 0 : i32
    %c0_i32_1 = arith.constant 0 : i32
    return %c0_i32, %c0_i32_0 : i32, i32
  }
  func.func @transform_2(%arg0: i32) -> (i32, i32, i32) {
    %c0_i32 = arith.constant 0 : i32
    %c0_i32_0 = arith.constant 0 : i32
    %c0_i32_1 = arith.constant 0 : i32
    return %arg0, %c0_i32, %c0_i32_0 : i32, i32, i32
  }
  func.func @transform_3(%arg0: i32) -> (i32, i32, i32) {
    %c0_i32 = arith.constant 0 : i32
    %c0_i32_0 = arith.constant 0 : i32
    %c0_i32_1 = arith.constant 0 : i32
    return %arg0, %c0_i32, %c0_i32_0 : i32, i32, i32
  }
  func.func @transform_4(%arg0: i32) -> (i32, i32, i32) {
    %c0_i32 = arith.constant 0 : i32
    %c0_i32_0 = arith.constant 0 : i32
    %c0_i32_1 = arith.constant 0 : i32
    return %arg0, %c0_i32, %c0_i32_0 : i32, i32, i32
  }
  func.func @transform_5(%arg0: i32) -> (i32, i32, i32) {
    %c0_i32 = arith.constant 0 : i32
    %c0_i32_0 = arith.constant 0 : i32
    %c0_i32_1 = arith.constant 0 : i32
    return %arg0, %c0_i32, %c0_i32_0 : i32, i32, i32
  }
  func.func @transform_6(%arg0: i32) -> (i32, i32) {
    %c0_i32 = arith.constant 0 : i32
    %c0_i32_0 = arith.constant 0 : i32
    %c0_i32_1 = arith.constant 0 : i32
    return %c0_i32, %c0_i32_0 : i32, i32
  }
  func.func @transform_7(%arg0: i32) -> (i32, i32) {
    %c0_i32 = arith.constant 0 : i32
    %c0_i32_0 = arith.constant 0 : i32
    %c0_i32_1 = arith.constant 0 : i32
    return %c0_i32, %c0_i32_0 : i32, i32
  }
}

</mosaic_0001>

<sc_bundles>
// kernel: sparse-core-data-format-call.cloned.1.call-start
scs
called_computation_lowered:
.L_overlay_start_0:
0x0: {  	s2 =	sld [smem:$0x3FD9]  }
0x1: {  	s3 =	sld [smem:$0x3FFE];
	_ =	sdelay $0x1  }
0x2: {  	s1 =	srdreg.scid  }
0x3: {  	s0 =	sand.u32 $0x1, s1  }
0x4: {  	s18 =	sshll.u32 s0, $0xA;
	s2 =	sadd.s32 s3, s2  }
0x5: {  	s2 =	sadd.s32 s2, s18  }
0x6: {  	[smem:$0x3F97] =	sst s2  }
0x7: {  	_ = 	snop  }
0x8: {  	s2 =	sld [smem:$0x3FC9];
	(tm) =	ssettm $0x1  }
0x9: {  	s19 =	sld [smem:$0x3FFB];
	_ =	sdelay $0x3  }
0xa: {  	_ =	strace s19  }
0xb: {  	s3 =	sld [smem:$0x3FFC];
	_ =	sdelay $0x3  }
0xc: {  	_ =	strace s3  }
0xd: {  	s3 =	sld [smem:$0x3FFD];
	_ =	sdelay $0x3  }
0xe: {  	_ =	strace s3  }
0xf: {  	_ =	strace $0x8FFFFFFF  }
0x10: {  	s20 =	sld [smem:$0x3FDB];
	_ =	sdelay $0x1  }
0x11: {  	s4 =	simm.s32 $_scs_section_size  }
0x12: {  	s5 =	simm.s32 $_size__tile_overlayer_lowered;
	s6 =	simm.s32 $_tile_overlayer_lowered  }
0x13: {  	s23 =	simm.s32 $0x1BFF;
	s22 =	sshll.u32 s6, $0x1;
	s3 =	sadd.s32 s4, s20  }
0x14: {  	s7 =	simm.s32 $0x0;
	s21 =	sshll.u32 s5, $0x1;
	s5 =	sadd.s32 s22, s3  }
0x15: {  	[timem:s7], [sflag:s23] =	dma.local [hbm:s5], s21  }
0x16: {  	_ =	swait.ge [sflag:s23], s21  }
0x17: {  	s4 =	ssub.s32 $0x0, s21;
	[sflag:s23] =	ssyncset.done $0x0  }
0x18: {  	[sflag:s23] =	ssyncadd.s32 s4;
	_ =	sdelay $0x1  }
0x19: {  	s24 =	simm.s32 $0x1B8B  }
0x1a: {  	_ =	swait.ge [sflag:s24], $0x1  }
0x1b: {  	[sflag:s24] =	ssyncset.done $0x0  }
0x1c: {  	s26 =	simm.s32 $0x1B8E;
	s25 =	sld [smem:$0x3FFE];
	[sflag:s24] =	ssyncadd.s32 $0xFFFFFFFF  }
0x1d: {  	s27 =	simm.s32 $execute0_lowered;
	[smem:$0x3FD2] =	sst s26  }
0x1e: {  	s5 =	sshll.u32 s27, $0x1;
	_ =	strace $0x80000046;
	[dreg:$0x1] =	wrdreg $0xFFFFFFFF  }
0x1f: {  	s28 =	simm.s32 $_size_execute0_lowered;
	s3 =	sadd.s32 s3, s5;
	[dreg:$0x0] =	wrdreg $0x0  }
0x20: {  	s5 =	sshll.u32 s28, $0x1;
	[dreg:$0x2] =	wrdreg s3  }
0x21: {  	[dreg:$0x3] =	wrdreg s5  }
0x22: {  	[dreg:$0x4] =	wrdreg $0xC0  }
0x23: {  	_ =	task [dreg:s7], $0x5FFFF  }
0x24: {  	[dreg:$0x1] =	wrdreg $0xFFFFFFFF  }
0x25: {  	[dreg:$0x0] =	wrdreg $0x60  }
0x26: {  	[dreg:$0x2] =	wrdreg s2  }
0x27: {  	[dreg:$0x3] =	wrdreg s25  }
0x28: {  	[dreg:$0x4] =	wrdreg $0x9  }
0x29: {  	_ =	task.clear_ibuf [dreg:s7], $0x5FFFF;
	_ =	strace $0x90000046  }
0x2a: {  	s29 =	simm.s32 $0x9;
	_ =	strace $0x80000048  }
0x2b: {  	_ =	swait.ge [sflag:s29], $0x1  }
0x2c: {  	[sflag:s29] =	ssyncadd.s32 $0xFFFFFFFF  }
0x2d: {  	_ =	strace $0x90000048  }
0x2e: {  	_ =	sfence  }
0x2f: {  	s30 =	sld [smem:$0x0];
	_ =	sdelay $0x2  }
0x30: {  	s31 =	sshll.u32 s1, $0xD;
	s1 =	sshrl.u32 s1, $0x2  }
0x31: {  	s3 =	sand.u32 $0x4000, s31;
	s1 =	sadd.s32 s1, s30  }
0x32: {  	s0 =	sor.u32 s3, s0;
	s1 =	sshll.u32 s1, $0x11  }
0x33: {  	s0 =	sor.u32 s1, s0  }
0x34: {  	s0 =	sadd.s32 $0x8F2B, s0  }
0x35: {  	[sflag:s0] =	ssyncadd.remote.s32 $0x1  }
0x36: {  	_ =	sfence.sel $0xFFFF  }
0x37: {  	[dreg:$0x0] =	wrdreg $0xFFFFFFFF;
	(pc) =	sbr.abs _section_cstart, $3  }
0x38: {  	[dreg:$0x1] =	wrdreg $0xFFFFFFFF  }
0x39: {  	_ =	task.clear_ibuf [dreg:s7], $0x2FFFF;
	_ =	strace $0x9FFFFFFF  }
0x3a: {  	(tm) =	ssettm $0x7FFFFFFF  }
0x3b: {  	_ =	shalt  }
tec
execute0_lowered:
.L_overlay_start_1:
0x0: {  	(tag) =	ssettag $0x1  }
0x1: {  	s2 =	rddreg [dreg:$0x0]  }
0x2: {  	s1 =	rddreg [dreg:$0x1]  }
0x3: {  	s0 =	rddreg [dreg:$0x2]  }
0x4: {  	_ =	strace $0x80000047;
	s4 =	srdreg.scid;
	s6 =	simm.s32 $0x2  }
0x5: {  	s12 =	simm.s32 $0x0;
	p0 =	por $0x0, $0x0;
	s13 =	simm.s32 $0x0  }
0x6: {  	s15 =	simm.s32 $0x0;
	s14 =	simm.s32 $0x0;
	s8 =	simm.s32 $0x0  }
.Ltmp0:
0x7: {  	s9 =	simm.s32 $0x0;
	s10 =	simm.s32 $0x0;
	(pc) =	sbr.rel .LBB1_1-.Ltmp0, $4  }
0x8: {  	s7 =	simm.s32 $0x0;
	s3 =	sadd.s32 $0x6600, s1;
	s5 =	sshll.u32 s4, $0x4  }
0x9: {  	s1 =	stileid.u32;
	s4 =	simm.s32 $0x1;
	s5 =	sand.u32 $0x10, s5  }
0xa: {  	s22 =	simm.s32 $0x0;
	[sflag:s4] =	ssyncpa.u1 $0x0;
	s5 =	sor.u32 s1, s5  }
0xb: {  	[sflag:s6] =	ssyncpa.u1 $0x0;
	s6 =	simm.s32 $0x1000;
	s11 =	smov.u32 s5  }
.LBB1_7:
0xc: {  	s16 =	sadd.s32 $0x80, s8  }
0xd: {  	s12 =	sadd.s32 $0x40, s9;
	s17 =	smov.u32 s9;
	p2 =	sgt.s32 s16, $0x1FF  }
0xe: {  	s17 =	smov.u32 @p2 s12  }
0xf: {  	s18 =	smov.u32 s10;
	s12 =	sadd.s32 $0x2, s10;
	p3 =	sgt.s32 s17, $0x3F  }
0x10: {  	s18 =	smov.u32 @p3 s12  }
0x11: {  	s19 =	smov.u32 s11;
	s12 =	sadd.s32 $0x20, s11;
	p4 =	sgt.s32 s18, $0x7  }
0x12: {  	p1 =	slt.u32 s7, $0x2;
	s19 =	smov.u32 @p4 s12  }
0x13: {  	s7 =	sadd.s32 $0x1, s7;
	s16 =	simm.s32 @p2 $0x0;
	p2 =	sgt.s32 s19, $0x7F  }
0x14: {  	s20 =	simm.s32 @!p1 $0x2;
	s19 =	smov.u32 @p2 s5;
	p2 =	sne.s32 s7, $0x42  }
.Ltmp1:
0x15: {  	s13 =	smov.u32 s9;
	_ =	swait.ge @!p1 [sflag:s20], $0x4000;
	(pc) =	sbr.rel @!p2 .LBB1_8-.Ltmp1, $4  }
0x16: {  	s15 =	smov.u32 s10;
	s14 =	smov.u32 s11;
	[sflag:s20] =	ssyncset.done @!p1 $0x0  }
0x17: {  	p0 =	por !p0, !p0;
	s17 =	simm.s32 @p3 $0x0;
	[sflag:s20] =	ssyncadd.s32 @!p1 $0xFFFFC000  }
0x18: {  	s9 =	smov.u32 s17;
	s18 =	simm.s32 @p4 $0x0;
	s12 =	smov.u32 s8  }
0x19: {  	s8 =	smov.u32 s16;
	s10 =	smov.u32 s18;
	s11 =	smov.u32 s19  }
.LBB1_1:
0x1a: {  	p1 =	sgt.u32 s7, $0x3F  }
0x1b: {  	s16 =	sxor.u32 @!p1 $0xFFFFFFFF, s7;
	s17 =	sand.u32 @!p1 $0x78, s8;
	s18 =	sshll.u32 @!p1 s9, $0x9  }
0x1c: {  	s19 =	sshll.u32 @!p1 s8, $0x3;
	s20 =	sshll.u32 @!p1 s9, $0x7;
	s16 =	sshll.u32 @!p1 s16, $0xE  }
0x1d: {  	s18 =	sand.u32 @!p1 $0x7000, s18;
	s19 =	sand.u32 @!p1 $0x7C00, s19;
	s16 =	sand.u32 @!p1 $0x4000, s16  }
0x1e: {  	s18 =	sadd.s32 @!p1 s18, s19;
	s19 =	sand.u32 @!p1 $0x200, s20;
	s20 =	sand.u32 @!p1 $0x180, s20  }
0x1f: {  	s18 =	sor.u32 @!p1 s19, s18;
	s17 =	sor.u32 @!p1 s17, s20;
	s19 =	sshll.u32 @!p1 s11, $0xF  }
0x20: {  	s20 =	sshll.u32 @!p1 s10, $0xC;
	s18 =	sshrl.u32 @!p1 s18, $0x3;
	s19 =	sadd.s32 @!p1 s2, s19  }
0x21: {  	s17 =	sshrl.u32 @!p1 s17, $0x3;
	s19 =	sadd.s32 @!p1 s20, s19;
	s20 =	sand.u32 @!p1 $0x7, s8  }
0x22: {  	s18 =	sand.u32 @!p1 $0xFC0, s18;
	s17 =	sadd.s32 @!p1 s17, s19;
	s19 =	sshll.u32 @!p1 s20, $0x12  }
0x23: {  	s17 =	sadd.s32 @!p1 s18, s17;
	s18 =	sor.u32 @!p1 $0x400, s19;
	s19 =	simm.s32 @!p1 $0x1000  }
0x24: {  	[tilespmem:s16], [sflag:$0x1] =	stream.strided.gather @!p1 [hbm4b:s17+s18], $0x4000, s19, s18, $0x38;
	[tilespmem:$0x10000] =	vst v63  }
0x25: {  	p1 =	seq.s32 s7, $0x0  }
0x26: {  	p2 =	seq.s32 @!p1 s7, $0x41  }
0x27: {  	p1 =	por p1, p2  }
.Ltmp2:
0x28: {  	_ = 	snop;
	(pc) =	sbr.rel @p1 .LBB1_7-.Ltmp2, $1  }
0x29: {  	_ =	sdelay $0x3  }
0x2a: {  	s16 =	simm.s32 $0x1;
	_ =	swait.ge [sflag:s4], $0x4000  }
0x2b: {  	s17 =	sshll.u32 s7, $0xE;
	s19 =	simm.s32 $0x0;
	s16 =	simm.s32 @!p0 $0x0  }
0x2c: {  	p2 =	por $0x1, $0x1;
	[sflag:s4] =	ssyncset.done $0x0;
	s16 =	sshll.u32 s16, $0x10  }
0x2d: {  	s17 =	sand.u32 $0x4000, s17;
	[sflag:s4] =	ssyncadd.s32 $0xFFFFC000;
	s18 =	sshrl.u32 s16, $0x2  }
0x2e: {  	s16 =	sor.u32 $0x8000, s17;
	s17 =	sadd.s32 $0x8040, s18;
	s18 =	sadd.s32 $0x40, s18  }
.LBB1_3:
0x2f: {  	s20 =	sshll.u32 s19, $0xD  }
0x30: {  	s20 =	sand.u32 $0x3FFFE000, s20  }
0x31: {  	s20 =	sadd.s32 s20, s18  }
0x32: {  	v0 =	vmov s20;
	_ =	sdelay $0x4  }
0x33: {  	v6 =	vld.idx.msk [tilespmem:v0+s22+$0x30 ss:$0x1], $0xffff  }
0x34: {  	v7 =	vld.idx.msk [tilespmem:v0+s22+$0xFFFFFFC0 ss:$0x1], $0xffff  }
0x35: {  	v1 =	vld.idx.msk [tilespmem:v0+s22+$0xFFFFFFD0 ss:$0x1], $0xffff  }
0x36: {  	s31 =	sshll.u32 s19, $0x7;
	v2 =	vld.idx.msk [tilespmem:v0+s22+$0xFFFFFFE0 ss:$0x1], $0xffff  }
0x37: {  	s19 =	sand.u32 $0x3FFFFF80, s31;
	v3 =	vld.idx.msk [tilespmem:v0+s22+$0xFFFFFFF0 ss:$0x1], $0xffff  }
0x38: {  	s19 =	sadd.s32 s19, s17;
	v4 =	vld.idx.msk [tilespmem:v0+s22+$0x0 ss:$0x1], $0xffff  }
0x39: {  	v5 =	vld.idx.msk [tilespmem:v0+s22+$0x10 ss:$0x1], $0xffff;
	[tilespmem:s19+$0x30] =	vst v6  }
0x3a: {  	p1 =	por p2, p2;
	s21 =	simm.s32 $0x400;
	s20 =	simm.s32 $0x80;
	[tilespmem:s19+$0xFFFFFFC0] =	vst v7;
	v6 =	vld.idx.msk [tilespmem:v0+s22+$0x20 ss:$0x1], $0xffff  }
.LBB1_4:
0x3b: {  	p2 =	sne.s32 s21, $0x7E00;
	v7 =	vld.idx.msk [tilespmem:v0+s20+$0x30 ss:$0x1], $0xffff;
	[tilespmem:s19+$0xFFFFFFD0] =	vst v1  }
0x3c: {  	v8 =	vld.idx.msk [tilespmem:v0+s20+$0xFFFFFFC0 ss:$0x1], $0xffff;
	[tilespmem:s19+$0xFFFFFFE0] =	vst v2  }
0x3d: {  	v1 =	vld.idx.msk [tilespmem:v0+s20+$0xFFFFFFD0 ss:$0x1], $0xffff;
	[tilespmem:s19+$0xFFFFFFF0] =	vst v3  }
.Ltmp3:
0x3e: {  	v2 =	vld.idx.msk [tilespmem:v0+s20+$0xFFFFFFE0 ss:$0x1], $0xffff;
	[tilespmem:s19+$0x0] =	vst v4;
	(pc) =	sbr.rel @p2 .LBB1_4-.Ltmp3, $4  }
0x3f: {  	v3 =	vld.idx.msk [tilespmem:v0+s20+$0xFFFFFFF0 ss:$0x1], $0xffff;
	[tilespmem:s19+$0x10] =	vst v5  }
0x40: {  	v4 =	vld.idx.msk [tilespmem:v0+s20+$0x0 ss:$0x1], $0xffff;
	[tilespmem:s19+$0x20] =	vst v6;
	s19 =	sadd.s32 $0x100, s19  }
0x41: {  	v5 =	vld.idx.msk [tilespmem:v0+s20+$0x10 ss:$0x1], $0xffff;
	[tilespmem:s19+$0x30] =	vst v7  }
0x42: {  	[tilespmem:s19+$0xFFFFFFC0] =	vst v8;
	v6 =	vld.idx.msk [tilespmem:v0+s20+$0x20 ss:$0x1], $0xffff;
	s20 =	sshra.s32 s21, $0x2;
	s21 =	sadd.s32 $0x200, s21  }
0x43: {  	_ =	sdelay $0x2  }
0x44: {  	[tilespmem:s19+$0xFFFFFFD0] =	vst v1  }
0x45: {  	v56 =	vld.idx.msk [tilespmem:v0+s20+$0x30 ss:$0x1], $0xffff;
	[tilespmem:s19+$0xFFFFFFE0] =	vst v2  }
0x46: {  	v57 =	vld.idx.msk [tilespmem:v0+s20+$0xFFFFFFC0 ss:$0x1], $0xffff;
	[tilespmem:s19+$0xFFFFFFF0] =	vst v3  }
0x47: {  	v58 =	vld.idx.msk [tilespmem:v0+s20+$0xFFFFFFD0 ss:$0x1], $0xffff;
	[tilespmem:s19+$0x0] =	vst v4  }
0x48: {  	v59 =	vld.idx.msk [tilespmem:v0+s20+$0xFFFFFFE0 ss:$0x1], $0xffff;
	[tilespmem:s19+$0x10] =	vst v5  }
0x49: {  	v60 =	vld.idx.msk [tilespmem:v0+s20+$0xFFFFFFF0 ss:$0x1], $0xffff;
	s31 =	sadd.s32 $0x100, s19;
	[tilespmem:s19+$0x20] =	vst v6  }
0x4a: {  	v61 =	vld.idx.msk [tilespmem:v0+s20+$0x0 ss:$0x1], $0xffff;
	[tilespmem:s31+$0x30] =	vst v56  }
0x4b: {  	v62 =	vld.idx.msk [tilespmem:v0+s20+$0x10 ss:$0x1], $0xffff;
	[tilespmem:s31+$0xFFFFFFC0] =	vst v57  }
0x4c: {  	v63 =	vld.idx.msk [tilespmem:v0+s20+$0x20 ss:$0x1], $0xffff;
	[tilespmem:s31+$0xFFFFFFD0] =	vst v58  }
.Ltmp4:
0x4d: {  	[tilespmem:s31+$0xFFFFFFE0] =	vst v59;
	(pc) =	sbr.rel @p1 .LBB1_3-.Ltmp4, $4  }
0x4e: {  	[tilespmem:s31+$0xFFFFFFF0] =	vst v60  }
0x4f: {  	[tilespmem:s31+$0x0] =	vst v61  }
0x50: {  	[tilespmem:s31+$0x10] =	vst v62  }
0x51: {  	p2 =	por $0x0, $0x0;
	s19 =	simm.s32 $0x1;
	[tilespmem:s31+$0x20] =	vst v63  }
0x52: {  	s17 =	sshll.u32 s12, $0x3;
	s15 =	sshll.u32 s15, $0x7;
	s18 =	sand.u32 $0x78, s12  }
0x53: {  	s14 =	sshll.u32 s14, $0xF;
	s13 =	sshll.u32 s13, $0x9;
	s15 =	sand.u32 $0x380, s15  }
.Ltmp5:
0x54: {  	s17 =	sand.u32 $0xC00, s17;
	s15 =	sor.u32 s18, s15;
	(pc) =	sbr.rel .LBB1_7-.Ltmp5, $4  }
0x55: {  	s31 =	sand.u32 $0x7, s12;
	s14 =	sadd.s32 s3, s14;
	s15 =	sor.u32 s17, s15  }
0x56: {  	s12 =	sshll.u32 s31, $0x12;
	s13 =	sadd.s32 s13, s14;
	s15 =	sshrl.u32 s15, $0x3  }
0x57: {  	s12 =	sor.u32 $0x100, s12;
	s13 =	sadd.s32 s15, s13  }
0x58: {  	[hbm4b:s13+s12] =	stream.strided.scatter [tilespmem:s16], [sflag:$0x2], $0x4000, s6, s12, $0x38;
	[tilespmem:$0x10000] =	vst v63  }
.LBB1_8:
0x59: {  	_ =	sfence.sel $0x180000  }
0x5a: {  	s2 =	simm.s32 $0x1;
	[bflag:$0x0] =	sbarrier.arrive $0xFFFF  }
0x5b: {  	s31 =	simm.s32 $0x2;
	[sflag:s2] =	ssyncpa.u1 $0x1  }
0x5c: {  	[sflag:s31] =	ssyncpa.u1 $0x1  }
0x5d: {  	p0 =	sne.s32 s1, $0x0;
	_ =	strace $0x90000047  }
0x5e: {  	s0 =	sadd.s32 @!p0 $0x100000, s0;
	[bflag:$0x2] =	sbarrier.arrive $0xFFFF  }
0x5f: {  	[sflag:s0] =	ssyncadd.tile.s32 @!p0 $0x1;
	_ =	shalt  }
.Lfunc_end1:
_tile_overlayer_lowered:
.L_overlay_start_2:
0x60: {  	(tag) =	ssettag $0x2  }
0x61: {  	s0 =	rddreg [dreg:$0x0];
	s2 =	stileid.u32  }
0x62: {  	s1 =	rddreg [dreg:$0x1];
	p0 =	sne.s32 s2, $0x0  }
0x63: {  	s3 =	rddreg [dreg:$0x2];
	[bflag:$0x3] =	sbarrier.arrive $0xFFFF;
	s2 =	simm.s32 @!p0 $0x1C01  }
0x64: {  	[timem:s3], [sflag:s2] =	dma.local @!p0 [hbm:s0], s1  }
0x65: {  	s0 =	simm.s32 @!p0 $0x1  }
0x66: {  	_ =	swait.ge @!p0 [sflag:s0], s1  }
0x67: {  	s1 =	ssub.s32 @!p0 $0x0, s1;
	[sflag:s0] =	ssyncset.done @!p0 $0x0  }
0x68: {  	[sflag:s0] =	ssyncadd.s32 @!p0 s1  }
0x69: {  	[bflag:$0x3] =	sbarrier.arrive $0xFFFF  }
0x6a: {  	_ =	shalt  }

</sc_bundles>
